<compile_context>
chip_gen: v7x
topology: tpu7x:2x2x1
jax: 0.10.2.dev20260603
libtpu: 0.0.44.dev20260713+nightly
codegen_flags: <defaults>
</compile_context>

<pallas_src>
import functools

import jax
import jax.numpy as jnp
from jax import lax
from jax.experimental import pallas as pl
from jax.experimental.pallas import tpu as pltpu
from jax.experimental.pallas import tpu_sc as plsc

N = 10000
E = 320000
DI = 128
DO = 128
H3 = 384
NW = 32
CHUNK = 128
CPW = 79
EPW = CHUNK * CPW
E_PAD = NW * EPW
CNT_PAD = 10240
ACC_PAD = 10112

_mesh = plsc.VectorSubcoreMesh(core_axis_name="c", subcore_axis_name="s")


@functools.partial(
    pl.kernel,
    out_type=jax.ShapeDtypeStruct((2 * CNT_PAD,), jnp.float32),
    mesh=_mesh,
    scratch_types=[
        pltpu.VMEM((CPW, CHUNK), jnp.int32),
        pltpu.VMEM((CHUNK,), jnp.float32),
        pltpu.VMEM((640,), jnp.float32),
        pltpu.VMEM_SHARED((CNT_PAD,), jnp.float32),
    ],
)
def _deg_kernel(dst_hbm, ones_hbm, zeros_hbm, out_hbm, idx_v, ones_v, zv, cnt_s):
    c = lax.axis_index("c")
    s = lax.axis_index("s")
    wid = s * 2 + c
    pltpu.sync_copy(zeros_hbm, zv)
    pltpu.sync_copy(zv, cnt_s.at[pl.ds(s * 640, 640)])
    pltpu.sync_copy(ones_hbm, ones_v)
    pltpu.sync_copy(dst_hbm.at[wid], idx_v)
    plsc.subcore_barrier()

    def body(j, carry):
        pltpu.sync_copy(ones_v, cnt_s.at[idx_v.at[j]], add=True)
        return carry

    lax.fori_loop(0, CPW, body, 0)
    plsc.subcore_barrier()
    pltpu.sync_copy(cnt_s.at[pl.ds(s * 640, 640)], zv)
    pltpu.sync_copy(zv, out_hbm.at[pl.ds(c * CNT_PAD + s * 640, 640)])


@functools.partial(
    pl.kernel,
    out_type=jax.ShapeDtypeStruct((2, ACC_PAD, DO), jnp.float32),
    mesh=_mesh,
    scratch_types=[
        pltpu.VMEM((CPW, CHUNK), jnp.int32),
        pltpu.VMEM((CPW, CHUNK), jnp.int32),
        pltpu.VMEM((CHUNK, DO), jnp.float32),
        pltpu.VMEM_SHARED((ACC_PAD, DO), jnp.float32),
    ],
)
def _gcn_gather(src_hbm, dst_hbm, y_hbm, zeros_hbm, out_hbm,
                src_v, dst_v, rows_v, acc_s):
    c = lax.axis_index("c")
    s = lax.axis_index("s")
    wid = s * 2 + c
    pltpu.sync_copy(zeros_hbm, rows_v)
    for k in range(4):
        pltpu.sync_copy(rows_v, acc_s.at[pl.ds(s * 632 + k * 128, 128)])
    pltpu.sync_copy(rows_v.at[pl.ds(0, 120)],
                    acc_s.at[pl.ds(s * 632 + 512, 120)])
    pltpu.sync_copy(src_hbm.at[wid], src_v)
    pltpu.sync_copy(dst_hbm.at[wid], dst_v)
    plsc.subcore_barrier()

    def body(j, carry):
        pltpu.sync_copy(y_hbm.at[src_v.at[j]], rows_v)
        pltpu.sync_copy(rows_v, acc_s.at[dst_v.at[j]], add=True)
        return carry

    lax.fori_loop(0, CPW, body, 0)
    plsc.subcore_barrier()
    for k in range(4):
        pltpu.sync_copy(acc_s.at[pl.ds(s * 632 + k * 128, 128)], rows_v)
        pltpu.sync_copy(rows_v,
                        out_hbm.at[c, pl.ds(s * 632 + k * 128, 128)])
    pltpu.sync_copy(acc_s.at[pl.ds(s * 632 + 512, 120)],
                    rows_v.at[pl.ds(0, 120)])
    pltpu.sync_copy(rows_v.at[pl.ds(0, 120)],
                    out_hbm.at[c, pl.ds(s * 632 + 512, 120)])


BLK = 1000
GRID = N // BLK


def _tc1_body(x_ref, wg_ref, c0_ref, c1_ref, y_ref, dinv_ref):
    xw = jnp.dot(x_ref[:], wg_ref[:], preferred_element_type=jnp.float32)
    deg = c0_ref[:] + c1_ref[:] + 1.0
    dinv = lax.rsqrt(deg)
    y_ref[:] = xw * dinv
    dinv_ref[:] = dinv


_tc1 = pl.pallas_call(
    _tc1_body,
    grid=(GRID,),
    in_specs=[
        pl.BlockSpec((BLK, DI), lambda i: (i, 0)),
        pl.BlockSpec((DI, DO), lambda i: (0, 0)),
        pl.BlockSpec((BLK, 1), lambda i: (i, 0)),
        pl.BlockSpec((BLK, 1), lambda i: (i, 0)),
    ],
    out_specs=[
        pl.BlockSpec((BLK, DO), lambda i: (i, 0)),
        pl.BlockSpec((BLK, 1), lambda i: (i, 0)),
    ],
    out_shape=[
        jax.ShapeDtypeStruct((N, DO), jnp.float32),
        jax.ShapeDtypeStruct((N, 1), jnp.float32),
    ],
)


def _tc2_body(a0_ref, a1_ref, y_ref, dv_ref, bg_ref, wih_ref, bsum_ref,
              whh_ref, bhn_ref, h0_ref, outs_ref, hf_ref, gi_ref, h_ref):
    i = pl.program_id(0)

    @pl.when(i == 0)
    def _init():
        h_ref[:] = h0_ref[:]

    gc = (a0_ref[:] + a1_ref[:] + y_ref[:]) * dv_ref[:] + bg_ref[:]
    gi_ref[:] = (jnp.dot(gc, wih_ref[:], preferred_element_type=jnp.float32)
                 + bsum_ref[:])
    whh = whh_ref[:]
    bhn = bhn_ref[:]

    def step(t, h):
        gh = jnp.dot(h, whh, preferred_element_type=jnp.float32)
        git = gi_ref[pl.ds(t, 1), :]
        trz = jnp.tanh((git[:, :2 * DO] + gh[:, :2 * DO]) * 0.5)
        r = 0.5 + 0.5 * trz[:, :DO]
        tz = trz[:, DO:]
        n_ = jnp.tanh(git[:, 2 * DO:] + r * (gh[:, 2 * DO:] + bhn))
        h = 0.5 * (n_ + h + tz * (h - n_))
        outs_ref[pl.ds(t, 1), :] = h
        return h

    def step4(q, h):
        t = q * 4
        for u in range(4):
            h = step(t + u, h)
        return h

    h = lax.fori_loop(0, BLK // 4, step4, h_ref[:])
    h_ref[:] = h
    hf_ref[:] = h


_tc2 = pl.pallas_call(
    _tc2_body,
    grid=(GRID,),
    in_specs=[
        pl.BlockSpec((BLK, DO), lambda i: (i, 0)),
        pl.BlockSpec((BLK, DO), lambda i: (i, 0)),
        pl.BlockSpec((BLK, DO), lambda i: (i, 0)),
        pl.BlockSpec((BLK, 1), lambda i: (i, 0)),
        pl.BlockSpec((1, DO), lambda i: (0, 0)),
        pl.BlockSpec((DO, H3), lambda i: (0, 0)),
        pl.BlockSpec((1, H3), lambda i: (0, 0)),
        pl.BlockSpec((DO, H3), lambda i: (0, 0)),
        pl.BlockSpec((1, DO), lambda i: (0, 0)),
        pl.BlockSpec((1, DO), lambda i: (0, 0)),
    ],
    out_specs=[
        pl.BlockSpec((BLK, DO), lambda i: (i, 0)),
        pl.BlockSpec((1, DO), lambda i: (0, 0)),
    ],
    out_shape=[
        jax.ShapeDtypeStruct((N, DO), jnp.float32),
        jax.ShapeDtypeStruct((1, DO), jnp.float32),
    ],
    scratch_shapes=[
        pltpu.VMEM((BLK, H3), jnp.float32),
        pltpu.VMEM((1, DO), jnp.float32),
    ],
)


def kernel(x, edge_index, W_gcn, b_gcn, W_ih, W_hh, b_ih, b_hh, h0):
    src = edge_index[0]
    dst = edge_index[1]
    pad = E_PAD - E
    src_p = jnp.concatenate([src, jnp.zeros((pad,), jnp.int32)])
    dst_p = jnp.concatenate([dst, jnp.full((pad,), N, jnp.int32)])
    src_p = src_p.reshape(NW, CPW, CHUNK)
    dst_p = dst_p.reshape(NW, CPW, CHUNK)

    ones = jnp.ones((CHUNK,), jnp.float32)
    z1 = jnp.zeros((640,), jnp.float32)
    cnt = _deg_kernel(dst_p, ones, z1).reshape(2, CNT_PAD)
    c0 = cnt[0, :N, None]
    c1 = cnt[1, :N, None]

    y, dinv = _tc1(x, W_gcn, c0, c1)

    z2 = jnp.zeros((CHUNK, DO), jnp.float32)
    acc = _gcn_gather(src_p, dst_p, y, z2)

    bsum = b_ih + jnp.concatenate([b_hh[:2 * DO], jnp.zeros((DO,), jnp.float32)])
    bhn = b_hh[2 * DO:]
    outs, hf = _tc2(acc[0, :N], acc[1, :N], y, dinv,
                    b_gcn.reshape(1, DO), W_ih.T, bsum.reshape(1, H3),
                    W_hh.T, bhn.reshape(1, DO), h0[0])
    return outs[None], hf[None]

# --- scband reference (transcript-rebuilt; emitter-appended) ---
"""Pipeline reference for scband-tgcn-67327907332470 (READ-ONLY COPY).

The authoritative reference and input builder live on the scoring server;
editing this copy changes nothing except your own understanding.
"""

import jax, jax.numpy as jnp
import numpy as np

N = 10000
E = 320000
D_IN = 128
D_OUT = 128
H = 128


def setup_inputs(seed: int = 0) -> dict:
    key = jax.random.key(seed)
    ks = jax.random.split(key, 10)
    x = jax.random.normal(ks[0], (N, D_IN), dtype=jnp.float32)
    edge_index = jax.random.randint(ks[1], (2, E), 0, N, dtype=jnp.int32)
    s_in = 1.0 / np.sqrt(D_IN)
    s_h = 1.0 / np.sqrt(H)
    W_gcn = jax.random.normal(ks[2], (D_IN, D_OUT), dtype=jnp.float32) * s_in
    b_gcn = jnp.zeros((D_OUT,), dtype=jnp.float32)
    W_ih = jax.random.normal(ks[3], (3 * H, D_OUT), dtype=jnp.float32) * s_h
    W_hh = jax.random.normal(ks[4], (3 * H, H), dtype=jnp.float32) * s_h
    b_ih = jax.random.normal(ks[5], (3 * H,), dtype=jnp.float32) * s_h
    b_hh = jax.random.normal(ks[6], (3 * H,), dtype=jnp.float32) * s_h
    h0 = jax.random.normal(ks[7], (1, 1, H), dtype=jnp.float32)
    return {"x": x, "edge_index": edge_index, "W_gcn": W_gcn, "b_gcn": b_gcn,
            "W_ih": W_ih, "W_hh": W_hh, "b_ih": b_ih, "b_hh": b_hh, "h0": h0}


def _gcn_conv(x, edge_index, W, b):
    n = x.shape[0]
    xw = x @ W
    loops = jnp.arange(n, dtype=edge_index.dtype)
    src = jnp.concatenate([edge_index[0], loops])
    dst = jnp.concatenate([edge_index[1], loops])
    ones = jnp.ones(src.shape[0], dtype=xw.dtype)
    deg = jax.ops.segment_sum(ones, dst, num_segments=n)
    dinv = jnp.where(deg > 0, deg ** -0.5, 0.0)
    norm = dinv[src] * dinv[dst]
    msg = xw[src] * norm[:, None]
    out = jax.ops.segment_sum(msg, dst, num_segments=n)
    return out + b


def _gru(seq, h0, W_ih, W_hh, b_ih, b_hh):
    gi_all = seq @ W_ih.T + b_ih
    def step(h, gi):
        gh = h @ W_hh.T + b_hh
        i_r, i_z, i_n = jnp.split(gi, 3)
        h_r, h_z, h_n = jnp.split(gh, 3)
        r = jax.nn.sigmoid(i_r + h_r)
        z = jax.nn.sigmoid(i_z + h_z)
        nn_ = jnp.tanh(i_n + r * h_n)
        h_new = (1.0 - z) * nn_ + z * h
        return h_new, h_new
    hf, outs = jax.lax.scan(step, h0, gi_all)
    return outs, hf


def reference(x, edge_index, W_gcn, b_gcn, W_ih, W_hh, b_ih, b_hh, h0):
    gc = _gcn_conv(x, edge_index, W_gcn, b_gcn)
    outs, hf = _gru(gc, h0[0, 0], W_ih, W_hh, b_ih, b_hh)
    return outs[None, :, :], hf[None, None, :]

if __name__ == "__main__":
    import jax
    _d = setup_inputs()
    print(jax.jit(kernel)(*tuple(_d.values())))

</pallas_src>

<mosaic_0001>
#map = affine_map<(d0, d1) -> (0, 0, 0)>
#map1 = affine_map<(d0, d1) -> (0)>
module attributes {stable_mosaic.version = 14 : i64} {
  func.func @_deg_kernel(%arg0: i32, %arg1: i32, %arg2: memref<32x79x128xi32, #tpu.memory_space<hbm>>, %arg3: memref<128xf32, #tpu.memory_space<hbm>>, %arg4: memref<640xf32, #tpu.memory_space<hbm>>, %arg5: memref<20480xf32, #tpu.memory_space<hbm>>, %arg6: memref<79x128xi32, #tpu.memory_space<vmem>>, %arg7: memref<128xf32, #tpu.memory_space<vmem>>, %arg8: memref<640xf32, #tpu.memory_space<vmem>>, %arg9: memref<10240xf32, #tpu.memory_space<vmem_shared>>) attributes {dimension_semantics = [#tpu.dimension_semantics<core_parallel>, #tpu.dimension_semantics<subcore_parallel>], iteration_bounds = array<i64: 2, 16>, scalar_prefetch = 0 : i64, scratch_operands = 4 : i64, tpu.core_type = #tpu.core_type<sc_vector_subcore>, window_params = [{transform_indices = #map}, {transform_indices = #map1}, {transform_indices = #map1}, {transform_indices = #map1}]} {
    %mul3A = arith.constant 2 : i32
    %mul3A_0 = arith.muli %arg1, %mul3A : i32
    %add3A = arith.addi %mul3A_0, %arg0 : i32
    "tpu.region"() ({
      %run_scoped3A = tpu.sem_alloc : memref<!tpu.dma_semaphore, #tpu.memory_space<semaphore_mem>>
      tpu.enqueue_dma source(%arg4 : memref<640xf32, #tpu.memory_space<hbm>>) target(%arg8 : memref<640xf32, #tpu.memory_space<vmem>>) target_semaphore(%run_scoped3A : memref<!tpu.dma_semaphore, #tpu.memory_space<semaphore_mem>>)
      tpu.wait_dma2 semaphore(%run_scoped3A : memref<!tpu.dma_semaphore, #tpu.memory_space<semaphore_mem>>) src(%arg4 : memref<640xf32, #tpu.memory_space<hbm>>) dst(%arg8 : memref<640xf32, #tpu.memory_space<vmem>>)
      tpu.yield
    }) : () -> ()
    %mul3A_1 = arith.constant 640 : i32
    %mul3A_2 = arith.muli %arg1, %mul3A_1 : i32
    "tpu.region"() ({
      %run_scoped3A = tpu.sem_alloc : memref<!tpu.dma_semaphore, #tpu.memory_space<semaphore_mem>>
      %dma_start3A = tpu.memref_slice %arg9[%mul3A_2] : memref<10240xf32, #tpu.memory_space<vmem_shared>> -> memref<640xf32, #tpu.memory_space<vmem_shared>>
      %dma_start3A_16 = tpu.memref_slice %arg9[%mul3A_2] : memref<10240xf32, #tpu.memory_space<vmem_shared>> -> memref<640xf32, #tpu.memory_space<vmem_shared>>
      tpu.enqueue_dma source(%arg8 : memref<640xf32, #tpu.memory_space<vmem>>) target(%dma_start3A_16 : memref<640xf32, #tpu.memory_space<vmem_shared>>) target_semaphore(%run_scoped3A : memref<!tpu.dma_semaphore, #tpu.memory_space<semaphore_mem>>)
      %dma_wait3A = tpu.memref_slice %arg9[%mul3A_2] : memref<10240xf32, #tpu.memory_space<vmem_shared>> -> memref<640xf32, #tpu.memory_space<vmem_shared>>
      %dma_wait3A_17 = tpu.memref_slice %arg9[%mul3A_2] : memref<10240xf32, #tpu.memory_space<vmem_shared>> -> memref<640xf32, #tpu.memory_space<vmem_shared>>
      tpu.wait_dma2 semaphore(%run_scoped3A : memref<!tpu.dma_semaphore, #tpu.memory_space<semaphore_mem>>) src(%arg8 : memref<640xf32, #tpu.memory_space<vmem>>) dst(%dma_wait3A_17 : memref<640xf32, #tpu.memory_space<vmem_shared>>)
      tpu.yield
    }) : () -> ()
    "tpu.region"() ({
      %run_scoped3A = tpu.sem_alloc : memref<!tpu.dma_semaphore, #tpu.memory_space<semaphore_mem>>
      tpu.enqueue_dma source(%arg3 : memref<128xf32, #tpu.memory_space<hbm>>) target(%arg7 : memref<128xf32, #tpu.memory_space<vmem>>) target_semaphore(%run_scoped3A : memref<!tpu.dma_semaphore, #tpu.memory_space<semaphore_mem>>)
      tpu.wait_dma2 semaphore(%run_scoped3A : memref<!tpu.dma_semaphore, #tpu.memory_space<semaphore_mem>>) src(%arg3 : memref<128xf32, #tpu.memory_space<hbm>>) dst(%arg7 : memref<128xf32, #tpu.memory_space<vmem>>)
      tpu.yield
    }) : () -> ()
    "tpu.region"() ({
      %run_scoped3A = tpu.sem_alloc : memref<!tpu.dma_semaphore, #tpu.memory_space<semaphore_mem>>
      %dma_start3A = arith.constant 0 : i32
      %dma_start3A_16 = arith.constant 0 : i32
      %dma_start3A_17 = tpu.memref_slice %arg2[%add3A, %dma_start3A, %dma_start3A_16] : memref<32x79x128xi32, #tpu.memory_space<hbm>> -> memref<1x79x128xi32, #tpu.memory_space<hbm>>
      %dma_start3A_18 = tpu.memref_squeeze %dma_start3A_17 : memref<1x79x128xi32, #tpu.memory_space<hbm>> -> memref<79x128xi32, #tpu.memory_space<hbm>>
      %dma_start3A_19 = arith.constant 0 : i32
      %dma_start3A_20 = arith.constant 0 : i32
      %dma_start3A_21 = tpu.memref_slice %arg2[%add3A, %dma_start3A_19, %dma_start3A_20] : memref<32x79x128xi32, #tpu.memory_space<hbm>> -> memref<1x79x128xi32, #tpu.memory_space<hbm>>
      %dma_start3A_22 = tpu.memref_squeeze %dma_start3A_21 : memref<1x79x128xi32, #tpu.memory_space<hbm>> -> memref<79x128xi32, #tpu.memory_space<hbm>>
      tpu.enqueue_dma source(%dma_start3A_22 : memref<79x128xi32, #tpu.memory_space<hbm>>) target(%arg6 : memref<79x128xi32, #tpu.memory_space<vmem>>) target_semaphore(%run_scoped3A : memref<!tpu.dma_semaphore, #tpu.memory_space<semaphore_mem>>)
      %dma_wait3A = arith.constant 0 : i32
      %dma_wait3A_23 = arith.constant 0 : i32
      %dma_wait3A_24 = tpu.memref_slice %arg2[%add3A, %dma_wait3A, %dma_wait3A_23] : memref<32x79x128xi32, #tpu.memory_space<hbm>> -> memref<1x79x128xi32, #tpu.memory_space<hbm>>
      %dma_wait3A_25 = tpu.memref_squeeze %dma_wait3A_24 : memref<1x79x128xi32, #tpu.memory_space<hbm>> -> memref<79x128xi32, #tpu.memory_space<hbm>>
      %dma_wait3A_26 = arith.constant 0 : i32
      %dma_wait3A_27 = arith.constant 0 : i32
      %dma_wait3A_28 = tpu.memref_slice %arg2[%add3A, %dma_wait3A_26, %dma_wait3A_27] : memref<32x79x128xi32, #tpu.memory_space<hbm>> -> memref<1x79x128xi32, #tpu.memory_space<hbm>>
      %dma_wait3A_29 = tpu.memref_squeeze %dma_wait3A_28 : memref<1x79x128xi32, #tpu.memory_space<hbm>> -> memref<79x128xi32, #tpu.memory_space<hbm>>
      tpu.wait_dma2 semaphore(%run_scoped3A : memref<!tpu.dma_semaphore, #tpu.memory_space<semaphore_mem>>) src(%dma_wait3A_29 : memref<79x128xi32, #tpu.memory_space<hbm>>) dst(%arg6 : memref<79x128xi32, #tpu.memory_space<vmem>>)
      tpu.yield
    }) : () -> ()
    %barrier3A = arith.constant 0 : index
    tpu.barrier barrier_id(%barrier3A)
    %scan3A = arith.constant 0 : i32
    %scan3A_3 = arith.constant 0 : i32
    %scan3A_4 = arith.constant 79 : i32
    %scan3A_5 = arith.addi %scan3A_3, %scan3A_4 : i32
    %scan3A_6 = arith.constant 1 : i32
    scf.for %scan3A_16 = %scan3A_3 to %scan3A_5 step %scan3A_6  : i32 {
      "tpu.region"() ({
        %run_scoped3A = tpu.sem_alloc : memref<!tpu.dma_semaphore, #tpu.memory_space<semaphore_mem>>
        %dma_start3A = arith.constant 0 : i32
        %dma_start3A_17 = tpu.memref_slice %arg6[%scan3A_16, %dma_start3A] : memref<79x128xi32, #tpu.memory_space<vmem>> -> memref<1x128xi32, #tpu.memory_space<vmem>>
        %dma_start3A_18 = tpu.memref_squeeze %dma_start3A_17 : memref<1x128xi32, #tpu.memory_space<vmem>> -> memref<128xi32, #tpu.memory_space<vmem>>
        %dma_start3A_19 = arith.constant 0 : i32
        %dma_start3A_20 = tpu.memref_slice %arg9[%dma_start3A_19] : memref<10240xf32, #tpu.memory_space<vmem_shared>> -> memref<10240xf32, #tpu.memory_space<vmem_shared>>
        tpu.enqueue_indirect_dma source(%arg7 : memref<128xf32, #tpu.memory_space<vmem>>) target(%dma_start3A_20 : memref<10240xf32, #tpu.memory_space<vmem_shared>>) offsets(%dma_start3A_18 : memref<128xi32, #tpu.memory_space<vmem>>) semaphore(%run_scoped3A : memref<!tpu.dma_semaphore, #tpu.memory_space<semaphore_mem>>) {add = true}
        %dma_wait3A = arith.constant 0 : i32
        %dma_wait3A_21 = tpu.memref_slice %arg6[%scan3A_16, %dma_wait3A] : memref<79x128xi32, #tpu.memory_space<vmem>> -> memref<1x128xi32, #tpu.memory_space<vmem>>
        %dma_wait3A_22 = tpu.memref_squeeze %dma_wait3A_21 : memref<1x128xi32, #tpu.memory_space<vmem>> -> memref<128xi32, #tpu.memory_space<vmem>>
        %dma_wait3A_23 = arith.constant 0 : i32
        %dma_wait3A_24 = tpu.memref_slice %arg9[%dma_wait3A_23] : memref<10240xf32, #tpu.memory_space<vmem_shared>> -> memref<10240xf32, #tpu.memory_space<vmem_shared>>
        tpu.wait_indirect_dma semaphore(%run_scoped3A : memref<!tpu.dma_semaphore, #tpu.memory_space<semaphore_mem>>) src(%arg7 : memref<128xf32, #tpu.memory_space<vmem>>) dst(%dma_wait3A_24 : memref<10240xf32, #tpu.memory_space<vmem_shared>>)
        tpu.yield
      }) : () -> ()
    }
    %scan3A_7 = arith.constant 79 : i32
    %barrier3A_8 = arith.constant 0 : index
    tpu.barrier barrier_id(%barrier3A_8)
    %mul3A_9 = arith.constant 640 : i32
    %mul3A_10 = arith.muli %arg1, %mul3A_9 : i32
    "tpu.region"() ({
      %run_scoped3A = tpu.sem_alloc : memref<!tpu.dma_semaphore, #tpu.memory_space<semaphore_mem>>
      %dma_start3A = tpu.memref_slice %arg9[%mul3A_10] : memref<10240xf32, #tpu.memory_space<vmem_shared>> -> memref<640xf32, #tpu.memory_space<vmem_shared>>
      %dma_start3A_16 = tpu.memref_slice %arg9[%mul3A_10] : memref<10240xf32, #tpu.memory_space<vmem_shared>> -> memref<640xf32, #tpu.memory_space<vmem_shared>>
      tpu.enqueue_dma source(%dma_start3A_16 : memref<640xf32, #tpu.memory_space<vmem_shared>>) target(%arg8 : memref<640xf32, #tpu.memory_space<vmem>>) target_semaphore(%run_scoped3A : memref<!tpu.dma_semaphore, #tpu.memory_space<semaphore_mem>>)
      %dma_wait3A = tpu.memref_slice %arg9[%mul3A_10] : memref<10240xf32, #tpu.memory_space<vmem_shared>> -> memref<640xf32, #tpu.memory_space<vmem_shared>>
      %dma_wait3A_17 = tpu.memref_slice %arg9[%mul3A_10] : memref<10240xf32, #tpu.memory_space<vmem_shared>> -> memref<640xf32, #tpu.memory_space<vmem_shared>>
      tpu.wait_dma2 semaphore(%run_scoped3A : memref<!tpu.dma_semaphore, #tpu.memory_space<semaphore_mem>>) src(%dma_wait3A_17 : memref<640xf32, #tpu.memory_space<vmem_shared>>) dst(%arg8 : memref<640xf32, #tpu.memory_space<vmem>>)
      tpu.yield
    }) : () -> ()
    %mul3A_11 = arith.constant 10240 : i32
    %mul3A_12 = arith.muli %arg0, %mul3A_11 : i32
    %mul3A_13 = arith.constant 640 : i32
    %mul3A_14 = arith.muli %arg1, %mul3A_13 : i32
    %add3A_15 = arith.addi %mul3A_12, %mul3A_14 : i32
    "tpu.region"() ({
      %run_scoped3A = tpu.sem_alloc : memref<!tpu.dma_semaphore, #tpu.memory_space<semaphore_mem>>
      %dma_start3A = tpu.memref_slice %arg5[%add3A_15] : memref<20480xf32, #tpu.memory_space<hbm>> -> memref<640xf32, #tpu.memory_space<hbm>>
      %dma_start3A_16 = tpu.memref_slice %arg5[%add3A_15] : memref<20480xf32, #tpu.memory_space<hbm>> -> memref<640xf32, #tpu.memory_space<hbm>>
      tpu.enqueue_dma source(%arg8 : memref<640xf32, #tpu.memory_space<vmem>>) target(%dma_start3A_16 : memref<640xf32, #tpu.memory_space<hbm>>) target_semaphore(%run_scoped3A : memref<!tpu.dma_semaphore, #tpu.memory_space<semaphore_mem>>)
      %dma_wait3A = tpu.memref_slice %arg5[%add3A_15] : memref<20480xf32, #tpu.memory_space<hbm>> -> memref<640xf32, #tpu.memory_space<hbm>>
      %dma_wait3A_17 = tpu.memref_slice %arg5[%add3A_15] : memref<20480xf32, #tpu.memory_space<hbm>> -> memref<640xf32, #tpu.memory_space<hbm>>
      tpu.wait_dma2 semaphore(%run_scoped3A : memref<!tpu.dma_semaphore, #tpu.memory_space<semaphore_mem>>) src(%arg8 : memref<640xf32, #tpu.memory_space<vmem>>) dst(%dma_wait3A_17 : memref<640xf32, #tpu.memory_space<hbm>>)
      tpu.yield
    }) : () -> ()
    return
  }
}

#map = affine_map<(d0, d1) -> (0, 0, 0)>
#map1 = affine_map<(d0, d1) -> (0, 0)>
module attributes {stable_mosaic.version = 14 : i64} {
  func.func @_gcn_gather(%arg0: i32, %arg1: i32, %arg2: memref<32x79x128xi32, #tpu.memory_space<hbm>>, %arg3: memref<32x79x128xi32, #tpu.memory_space<hbm>>, %arg4: memref<10000x128xf32, #tpu.memory_space<hbm>>, %arg5: memref<128x128xf32, #tpu.memory_space<hbm>>, %arg6: memref<2x10112x128xf32, #tpu.memory_space<hbm>>, %arg7: memref<79x128xi32, #tpu.memory_space<vmem>>, %arg8: memref<79x128xi32, #tpu.memory_space<vmem>>, %arg9: memref<128x128xf32, #tpu.memory_space<vmem>>, %arg10: memref<10112x128xf32, #tpu.memory_space<vmem_shared>>) attributes {dimension_semantics = [#tpu.dimension_semantics<core_parallel>, #tpu.dimension_semantics<subcore_parallel>], iteration_bounds = array<i64: 2, 16>, scalar_prefetch = 0 : i64, scratch_operands = 4 : i64, tpu.core_type = #tpu.core_type<sc_vector_subcore>, window_params = [{transform_indices = #map}, {transform_indices = #map}, {transform_indices = #map1}, {transform_indices = #map1}, {transform_indices = #map}]} {
    %mul3A = arith.constant 2 : i32
    %mul3A_0 = arith.muli %arg1, %mul3A : i32
    %add3A = arith.addi %mul3A_0, %arg0 : i32
    "tpu.region"() ({
      %run_scoped3A = tpu.sem_alloc : memref<!tpu.dma_semaphore, #tpu.memory_space<semaphore_mem>>
      tpu.enqueue_dma source(%arg5 : memref<128x128xf32, #tpu.memory_space<hbm>>) target(%arg9 : memref<128x128xf32, #tpu.memory_space<vmem>>) target_semaphore(%run_scoped3A : memref<!tpu.dma_semaphore, #tpu.memory_space<semaphore_mem>>)
      tpu.wait_dma2 semaphore(%run_scoped3A : memref<!tpu.dma_semaphore, #tpu.memory_space<semaphore_mem>>) src(%arg5 : memref<128x128xf32, #tpu.memory_space<hbm>>) dst(%arg9 : memref<128x128xf32, #tpu.memory_space<vmem>>)
      tpu.yield
    }) : () -> ()
    %mul3A_1 = arith.constant 632 : i32
    %mul3A_2 = arith.muli %arg1, %mul3A_1 : i32
    %add3A_3 = arith.constant 0 : i32
    %add3A_4 = arith.addi %mul3A_2, %add3A_3 : i32
    "tpu.region"() ({
      %run_scoped3A = tpu.sem_alloc : memref<!tpu.dma_semaphore, #tpu.memory_space<semaphore_mem>>
      %dma_start3A = arith.constant 0 : i32
      %dma_start3A_67 = tpu.memref_slice %arg10[%add3A_4, %dma_start3A] : memref<10112x128xf32, #tpu.memory_space<vmem_shared>> -> memref<128x128xf32, #tpu.memory_space<vmem_shared>>
      %dma_start3A_68 = arith.constant 0 : i32
      %dma_start3A_69 = tpu.memref_slice %arg10[%add3A_4, %dma_start3A_68] : memref<10112x128xf32, #tpu.memory_space<vmem_shared>> -> memref<128x128xf32, #tpu.memory_space<vmem_shared>>
      tpu.enqueue_dma source(%arg9 : memref<128x128xf32, #tpu.memory_space<vmem>>) target(%dma_start3A_69 : memref<128x128xf32, #tpu.memory_space<vmem_shared>>) target_semaphore(%run_scoped3A : memref<!tpu.dma_semaphore, #tpu.memory_space<semaphore_mem>>)
      %dma_wait3A = arith.constant 0 : i32
      %dma_wait3A_70 = tpu.memref_slice %arg10[%add3A_4, %dma_wait3A] : memref<10112x128xf32, #tpu.memory_space<vmem_shared>> -> memref<128x128xf32, #tpu.memory_space<vmem_shared>>
      %dma_wait3A_71 = arith.constant 0 : i32
      %dma_wait3A_72 = tpu.memref_slice %arg10[%add3A_4, %dma_wait3A_71] : memref<10112x128xf32, #tpu.memory_space<vmem_shared>> -> memref<128x128xf32, #tpu.memory_space<vmem_shared>>
      tpu.wait_dma2 semaphore(%run_scoped3A : memref<!tpu.dma_semaphore, #tpu.memory_space<semaphore_mem>>) src(%arg9 : memref<128x128xf32, #tpu.memory_space<vmem>>) dst(%dma_wait3A_72 : memref<128x128xf32, #tpu.memory_space<vmem_shared>>)
      tpu.yield
    }) : () -> ()
    %mul3A_5 = arith.constant 632 : i32
    %mul3A_6 = arith.muli %arg1, %mul3A_5 : i32
    %add3A_7 = arith.constant 128 : i32
    %add3A_8 = arith.addi %mul3A_6, %add3A_7 : i32
    "tpu.region"() ({
      %run_scoped3A = tpu.sem_alloc : memref<!tpu.dma_semaphore, #tpu.memory_space<semaphore_mem>>
      %dma_start3A = arith.constant 0 : i32
      %dma_start3A_67 = tpu.memref_slice %arg10[%add3A_8, %dma_start3A] : memref<10112x128xf32, #tpu.memory_space<vmem_shared>> -> memref<128x128xf32, #tpu.memory_space<vmem_shared>>
      %dma_start3A_68 = arith.constant 0 : i32
      %dma_start3A_69 = tpu.memref_slice %arg10[%add3A_8, %dma_start3A_68] : memref<10112x128xf32, #tpu.memory_space<vmem_shared>> -> memref<128x128xf32, #tpu.memory_space<vmem_shared>>
      tpu.enqueue_dma source(%arg9 : memref<128x128xf32, #tpu.memory_space<vmem>>) target(%dma_start3A_69 : memref<128x128xf32, #tpu.memory_space<vmem_shared>>) target_semaphore(%run_scoped3A : memref<!tpu.dma_semaphore, #tpu.memory_space<semaphore_mem>>)
      %dma_wait3A = arith.constant 0 : i32
      %dma_wait3A_70 = tpu.memref_slice %arg10[%add3A_8, %dma_wait3A] : memref<10112x128xf32, #tpu.memory_space<vmem_shared>> -> memref<128x128xf32, #tpu.memory_space<vmem_shared>>
      %dma_wait3A_71 = arith.constant 0 : i32
      %dma_wait3A_72 = tpu.memref_slice %arg10[%add3A_8, %dma_wait3A_71] : memref<10112x128xf32, #tpu.memory_space<vmem_shared>> -> memref<128x128xf32, #tpu.memory_space<vmem_shared>>
      tpu.wait_dma2 semaphore(%run_scoped3A : memref<!tpu.dma_semaphore, #tpu.memory_space<semaphore_mem>>) src(%arg9 : memref<128x128xf32, #tpu.memory_space<vmem>>) dst(%dma_wait3A_72 : memref<128x128xf32, #tpu.memory_space<vmem_shared>>)
      tpu.yield
    }) : () -> ()
    %mul3A_9 = arith.constant 632 : i32
    %mul3A_10 = arith.muli %arg1, %mul3A_9 : i32
    %add3A_11 = arith.constant 256 : i32
    %add3A_12 = arith.addi %mul3A_10, %add3A_11 : i32
    "tpu.region"() ({
      %run_scoped3A = tpu.sem_alloc : memref<!tpu.dma_semaphore, #tpu.memory_space<semaphore_mem>>
      %dma_start3A = arith.constant 0 : i32
      %dma_start3A_67 = tpu.memref_slice %arg10[%add3A_12, %dma_start3A] : memref<10112x128xf32, #tpu.memory_space<vmem_shared>> -> memref<128x128xf32, #tpu.memory_space<vmem_shared>>
      %dma_start3A_68 = arith.constant 0 : i32
      %dma_start3A_69 = tpu.memref_slice %arg10[%add3A_12, %dma_start3A_68] : memref<10112x128xf32, #tpu.memory_space<vmem_shared>> -> memref<128x128xf32, #tpu.memory_space<vmem_shared>>
      tpu.enqueue_dma source(%arg9 : memref<128x128xf32, #tpu.memory_space<vmem>>) target(%dma_start3A_69 : memref<128x128xf32, #tpu.memory_space<vmem_shared>>) target_semaphore(%run_scoped3A : memref<!tpu.dma_semaphore, #tpu.memory_space<semaphore_mem>>)
      %dma_wait3A = arith.constant 0 : i32
      %dma_wait3A_70 = tpu.memref_slice %arg10[%add3A_12, %dma_wait3A] : memref<10112x128xf32, #tpu.memory_space<vmem_shared>> -> memref<128x128xf32, #tpu.memory_space<vmem_shared>>
      %dma_wait3A_71 = arith.constant 0 : i32
      %dma_wait3A_72 = tpu.memref_slice %arg10[%add3A_12, %dma_wait3A_71] : memref<10112x128xf32, #tpu.memory_space<vmem_shared>> -> memref<128x128xf32, #tpu.memory_space<vmem_shared>>
      tpu.wait_dma2 semaphore(%run_scoped3A : memref<!tpu.dma_semaphore, #tpu.memory_space<semaphore_mem>>) src(%arg9 : memref<128x128xf32, #tpu.memory_space<vmem>>) dst(%dma_wait3A_72 : memref<128x128xf32, #tpu.memory_space<vmem_shared>>)
      tpu.yield
    }) : () -> ()
    %mul3A_13 = arith.constant 632 : i32
    %mul3A_14 = arith.muli %arg1, %mul3A_13 : i32
    %add3A_15 = arith.constant 384 : i32
    %add3A_16 = arith.addi %mul3A_14, %add3A_15 : i32
    "tpu.region"() ({
      %run_scoped3A = tpu.sem_alloc : memref<!tpu.dma_semaphore, #tpu.memory_space<semaphore_mem>>
      %dma_start3A = arith.constant 0 : i32
      %dma_start3A_67 = tpu.memref_slice %arg10[%add3A_16, %dma_start3A] : memref<10112x128xf32, #tpu.memory_space<vmem_shared>> -> memref<128x128xf32, #tpu.memory_space<vmem_shared>>
      %dma_start3A_68 = arith.constant 0 : i32
      %dma_start3A_69 = tpu.memref_slice %arg10[%add3A_16, %dma_start3A_68] : memref<10112x128xf32, #tpu.memory_space<vmem_shared>> -> memref<128x128xf32, #tpu.memory_space<vmem_shared>>
      tpu.enqueue_dma source(%arg9 : memref<128x128xf32, #tpu.memory_space<vmem>>) target(%dma_start3A_69 : memref<128x128xf32, #tpu.memory_space<vmem_shared>>) target_semaphore(%run_scoped3A : memref<!tpu.dma_semaphore, #tpu.memory_space<semaphore_mem>>)
      %dma_wait3A = arith.constant 0 : i32
      %dma_wait3A_70 = tpu.memref_slice %arg10[%add3A_16, %dma_wait3A] : memref<10112x128xf32, #tpu.memory_space<vmem_shared>> -> memref<128x128xf32, #tpu.memory_space<vmem_shared>>
      %dma_wait3A_71 = arith.constant 0 : i32
      %dma_wait3A_72 = tpu.memref_slice %arg10[%add3A_16, %dma_wait3A_71] : memref<10112x128xf32, #tpu.memory_space<vmem_shared>> -> memref<128x128xf32, #tpu.memory_space<vmem_shared>>
      tpu.wait_dma2 semaphore(%run_scoped3A : memref<!tpu.dma_semaphore, #tpu.memory_space<semaphore_mem>>) src(%arg9 : memref<128x128xf32, #tpu.memory_space<vmem>>) dst(%dma_wait3A_72 : memref<128x128xf32, #tpu.memory_space<vmem_shared>>)
      tpu.yield
    }) : () -> ()
    %mul3A_17 = arith.constant 632 : i32
    %mul3A_18 = arith.muli %arg1, %mul3A_17 : i32
    %add3A_19 = arith.constant 512 : i32
    %add3A_20 = arith.addi %mul3A_18, %add3A_19 : i32
    "tpu.region"() ({
      %run_scoped3A = tpu.sem_alloc : memref<!tpu.dma_semaphore, #tpu.memory_space<semaphore_mem>>
      %dma_start3A = arith.constant 0 : i32
      %dma_start3A_67 = arith.constant 0 : i32
      %dma_start3A_68 = tpu.memref_slice %arg9[%dma_start3A, %dma_start3A_67] : memref<128x128xf32, #tpu.memory_space<vmem>> -> memref<120x128xf32, #tpu.memory_space<vmem>>
      %dma_start3A_69 = arith.constant 0 : i32
      %dma_start3A_70 = tpu.memref_slice %arg10[%add3A_20, %dma_start3A_69] : memref<10112x128xf32, #tpu.memory_space<vmem_shared>> -> memref<120x128xf32, #tpu.memory_space<vmem_shared>>
      %dma_start3A_71 = arith.constant 0 : i32
      %dma_start3A_72 = tpu.memref_slice %arg10[%add3A_20, %dma_start3A_71] : memref<10112x128xf32, #tpu.memory_space<vmem_shared>> -> memref<120x128xf32, #tpu.memory_space<vmem_shared>>
      %dma_start3A_73 = arith.constant 0 : i32
      %dma_start3A_74 = arith.constant 0 : i32
      %dma_start3A_75 = tpu.memref_slice %arg9[%dma_start3A_73, %dma_start3A_74] : memref<128x128xf32, #tpu.memory_space<vmem>> -> memref<120x128xf32, #tpu.memory_space<vmem>>
      tpu.enqueue_dma source(%dma_start3A_75 : memref<120x128xf32, #tpu.memory_space<vmem>>) target(%dma_start3A_72 : memref<120x128xf32, #tpu.memory_space<vmem_shared>>) target_semaphore(%run_scoped3A : memref<!tpu.dma_semaphore, #tpu.memory_space<semaphore_mem>>)
      %dma_wait3A = arith.constant 0 : i32
      %dma_wait3A_76 = arith.constant 0 : i32
      %dma_wait3A_77 = tpu.memref_slice %arg9[%dma_wait3A, %dma_wait3A_76] : memref<128x128xf32, #tpu.memory_space<vmem>> -> memref<120x128xf32, #tpu.memory_space<vmem>>
      %dma_wait3A_78 = arith.constant 0 : i32
      %dma_wait3A_79 = tpu.memref_slice %arg10[%add3A_20, %dma_wait3A_78] : memref<10112x128xf32, #tpu.memory_space<vmem_shared>> -> memref<120x128xf32, #tpu.memory_space<vmem_shared>>
      %dma_wait3A_80 = arith.constant 0 : i32
      %dma_wait3A_81 = tpu.memref_slice %arg10[%add3A_20, %dma_wait3A_80] : memref<10112x128xf32, #tpu.memory_space<vmem_shared>> -> memref<120x128xf32, #tpu.memory_space<vmem_shared>>
      %dma_wait3A_82 = arith.constant 0 : i32
      %dma_wait3A_83 = arith.constant 0 : i32
      %dma_wait3A_84 = tpu.memref_slice %arg9[%dma_wait3A_82, %dma_wait3A_83] : memref<128x128xf32, #tpu.memory_space<vmem>> -> memref<120x128xf32, #tpu.memory_space<vmem>>
      tpu.wait_dma2 semaphore(%run_scoped3A : memref<!tpu.dma_semaphore, #tpu.memory_space<semaphore_mem>>) src(%dma_wait3A_84 : memref<120x128xf32, #tpu.memory_space<vmem>>) dst(%dma_wait3A_81 : memref<120x128xf32, #tpu.memory_space<vmem_shared>>)
      tpu.yield
    }) : () -> ()
    "tpu.region"() ({
      %run_scoped3A = tpu.sem_alloc : memref<!tpu.dma_semaphore, #tpu.memory_space<semaphore_mem>>
      %dma_start3A = arith.constant 0 : i32
      %dma_start3A_67 = arith.constant 0 : i32
      %dma_start3A_68 = tpu.memref_slice %arg2[%add3A, %dma_start3A, %dma_start3A_67] : memref<32x79x128xi32, #tpu.memory_space<hbm>> -> memref<1x79x128xi32, #tpu.memory_space<hbm>>
      %dma_start3A_69 = tpu.memref_squeeze %dma_start3A_68 : memref<1x79x128xi32, #tpu.memory_space<hbm>> -> memref<79x128xi32, #tpu.memory_space<hbm>>
      %dma_start3A_70 = arith.constant 0 : i32
      %dma_start3A_71 = arith.constant 0 : i32
      %dma_start3A_72 = tpu.memref_slice %arg2[%add3A, %dma_start3A_70, %dma_start3A_71] : memref<32x79x128xi32, #tpu.memory_space<hbm>> -> memref<1x79x128xi32, #tpu.memory_space<hbm>>
      %dma_start3A_73 = tpu.memref_squeeze %dma_start3A_72 : memref<1x79x128xi32, #tpu.memory_space<hbm>> -> memref<79x128xi32, #tpu.memory_space<hbm>>
      tpu.enqueue_dma source(%dma_start3A_73 : memref<79x128xi32, #tpu.memory_space<hbm>>) target(%arg7 : memref<79x128xi32, #tpu.memory_space<vmem>>) target_semaphore(%run_scoped3A : memref<!tpu.dma_semaphore, #tpu.memory_space<semaphore_mem>>)
      %dma_wait3A = arith.constant 0 : i32
      %dma_wait3A_74 = arith.constant 0 : i32
      %dma_wait3A_75 = tpu.memref_slice %arg2[%add3A, %dma_wait3A, %dma_wait3A_74] : memref<32x79x128xi32, #tpu.memory_space<hbm>> -> memref<1x79x128xi32, #tpu.memory_space<hbm>>
      %dma_wait3A_76 = tpu.memref_squeeze %dma_wait3A_75 : memref<1x79x128xi32, #tpu.memory_space<hbm>> -> memref<79x128xi32, #tpu.memory_space<hbm>>
      %dma_wait3A_77 = arith.constant 0 : i32
      %dma_wait3A_78 = arith.constant 0 : i32
      %dma_wait3A_79 = tpu.memref_slice %arg2[%add3A, %dma_wait3A_77, %dma_wait3A_78] : memref<32x79x128xi32, #tpu.memory_space<hbm>> -> memref<1x79x128xi32, #tpu.memory_space<hbm>>
      %dma_wait3A_80 = tpu.memref_squeeze %dma_wait3A_79 : memref<1x79x128xi32, #tpu.memory_space<hbm>> -> memref<79x128xi32, #tpu.memory_space<hbm>>
      tpu.wait_dma2 semaphore(%run_scoped3A : memref<!tpu.dma_semaphore, #tpu.memory_space<semaphore_mem>>) src(%dma_wait3A_80 : memref<79x128xi32, #tpu.memory_space<hbm>>) dst(%arg7 : memref<79x128xi32, #tpu.memory_space<vmem>>)
      tpu.yield
    }) : () -> ()
    "tpu.region"() ({
      %run_scoped3A = tpu.sem_alloc : memref<!tpu.dma_semaphore, #tpu.memory_space<semaphore_mem>>
      %dma_start3A = arith.constant 0 : i32
      %dma_start3A_67 = arith.constant 0 : i32
      %dma_start3A_68 = tpu.memref_slice %arg3[%add3A, %dma_start3A, %dma_start3A_67] : memref<32x79x128xi32, #tpu.memory_space<hbm>> -> memref<1x79x128xi32, #tpu.memory_space<hbm>>
      %dma_start3A_69 = tpu.memref_squeeze %dma_start3A_68 : memref<1x79x128xi32, #tpu.memory_space<hbm>> -> memref<79x128xi32, #tpu.memory_space<hbm>>
      %dma_start3A_70 = arith.constant 0 : i32
      %dma_start3A_71 = arith.constant 0 : i32
      %dma_start3A_72 = tpu.memref_slice %arg3[%add3A, %dma_start3A_70, %dma_start3A_71] : memref<32x79x128xi32, #tpu.memory_space<hbm>> -> memref<1x79x128xi32, #tpu.memory_space<hbm>>
      %dma_start3A_73 = tpu.memref_squeeze %dma_start3A_72 : memref<1x79x128xi32, #tpu.memory_space<hbm>> -> memref<79x128xi32, #tpu.memory_space<hbm>>
      tpu.enqueue_dma source(%dma_start3A_73 : memref<79x128xi32, #tpu.memory_space<hbm>>) target(%arg8 : memref<79x128xi32, #tpu.memory_space<vmem>>) target_semaphore(%run_scoped3A : memref<!tpu.dma_semaphore, #tpu.memory_space<semaphore_mem>>)
      %dma_wait3A = arith.constant 0 : i32
      %dma_wait3A_74 = arith.constant 0 : i32
      %dma_wait3A_75 = tpu.memref_slice %arg3[%add3A, %dma_wait3A, %dma_wait3A_74] : memref<32x79x128xi32, #tpu.memory_space<hbm>> -> memref<1x79x128xi32, #tpu.memory_space<hbm>>
      %dma_wait3A_76 = tpu.memref_squeeze %dma_wait3A_75 : memref<1x79x128xi32, #tpu.memory_space<hbm>> -> memref<79x128xi32, #tpu.memory_space<hbm>>
      %dma_wait3A_77 = arith.constant 0 : i32
      %dma_wait3A_78 = arith.constant 0 : i32
      %dma_wait3A_79 = tpu.memref_slice %arg3[%add3A, %dma_wait3A_77, %dma_wait3A_78] : memref<32x79x128xi32, #tpu.memory_space<hbm>> -> memref<1x79x128xi32, #tpu.memory_space<hbm>>
      %dma_wait3A_80 = tpu.memref_squeeze %dma_wait3A_79 : memref<1x79x128xi32, #tpu.memory_space<hbm>> -> memref<79x128xi32, #tpu.memory_space<hbm>>
      tpu.wait_dma2 semaphore(%run_scoped3A : memref<!tpu.dma_semaphore, #tpu.memory_space<semaphore_mem>>) src(%dma_wait3A_80 : memref<79x128xi32, #tpu.memory_space<hbm>>) dst(%arg8 : memref<79x128xi32, #tpu.memory_space<vmem>>)
      tpu.yield
    }) : () -> ()
    %barrier3A = arith.constant 0 : index
    tpu.barrier barrier_id(%barrier3A)
    %scan3A = arith.constant 0 : i32
    %scan3A_21 = arith.constant 0 : i32
    %scan3A_22 = arith.constant 79 : i32
    %scan3A_23 = arith.addi %scan3A_21, %scan3A_22 : i32
    %scan3A_24 = arith.constant 1 : i32
    scf.for %scan3A_67 = %scan3A_21 to %scan3A_23 step %scan3A_24  : i32 {
      "tpu.region"() ({
        %run_scoped3A = tpu.sem_alloc : memref<!tpu.dma_semaphore, #tpu.memory_space<semaphore_mem>>
        %dma_start3A = arith.constant 0 : i32
        %dma_start3A_68 = tpu.memref_slice %arg7[%scan3A_67, %dma_start3A] : memref<79x128xi32, #tpu.memory_space<vmem>> -> memref<1x128xi32, #tpu.memory_space<vmem>>
        %dma_start3A_69 = tpu.memref_squeeze %dma_start3A_68 : memref<1x128xi32, #tpu.memory_space<vmem>> -> memref<128xi32, #tpu.memory_space<vmem>>
        %dma_start3A_70 = arith.constant 0 : i32
        %dma_start3A_71 = arith.constant 0 : i32
        %dma_start3A_72 = tpu.memref_slice %arg4[%dma_start3A_70, %dma_start3A_71] : memref<10000x128xf32, #tpu.memory_space<hbm>> -> memref<10000x128xf32, #tpu.memory_space<hbm>>
        tpu.enqueue_indirect_dma source(%dma_start3A_72 : memref<10000x128xf32, #tpu.memory_space<hbm>>) target(%arg9 : memref<128x128xf32, #tpu.memory_space<vmem>>) offsets(%dma_start3A_69 : memref<128xi32, #tpu.memory_space<vmem>>) semaphore(%run_scoped3A : memref<!tpu.dma_semaphore, #tpu.memory_space<semaphore_mem>>)
        %dma_wait3A = arith.constant 0 : i32
        %dma_wait3A_73 = tpu.memref_slice %arg7[%scan3A_67, %dma_wait3A] : memref<79x128xi32, #tpu.memory_space<vmem>> -> memref<1x128xi32, #tpu.memory_space<vmem>>
        %dma_wait3A_74 = tpu.memref_squeeze %dma_wait3A_73 : memref<1x128xi32, #tpu.memory_space<vmem>> -> memref<128xi32, #tpu.memory_space<vmem>>
        %dma_wait3A_75 = arith.constant 0 : i32
        %dma_wait3A_76 = arith.constant 0 : i32
        %dma_wait3A_77 = tpu.memref_slice %arg4[%dma_wait3A_75, %dma_wait3A_76] : memref<10000x128xf32, #tpu.memory_space<hbm>> -> memref<10000x128xf32, #tpu.memory_space<hbm>>
        tpu.wait_indirect_dma semaphore(%run_scoped3A : memref<!tpu.dma_semaphore, #tpu.memory_space<semaphore_mem>>) src(%dma_wait3A_77 : memref<10000x128xf32, #tpu.memory_space<hbm>>) dst(%arg9 : memref<128x128xf32, #tpu.memory_space<vmem>>)
        tpu.yield
      }) : () -> ()
      "tpu.region"() ({
        %run_scoped3A = tpu.sem_alloc : memref<!tpu.dma_semaphore, #tpu.memory_space<semaphore_mem>>
        %dma_start3A = arith.constant 0 : i32
        %dma_start3A_68 = tpu.memref_slice %arg8[%scan3A_67, %dma_start3A] : memref<79x128xi32, #tpu.memory_space<vmem>> -> memref<1x128xi32, #tpu.memory_space<vmem>>
        %dma_start3A_69 = tpu.memref_squeeze %dma_start3A_68 : memref<1x128xi32, #tpu.memory_space<vmem>> -> memref<128xi32, #tpu.memory_space<vmem>>
        %dma_start3A_70 = arith.constant 0 : i32
        %dma_start3A_71 = arith.constant 0 : i32
        %dma_start3A_72 = tpu.memref_slice %arg10[%dma_start3A_70, %dma_start3A_71] : memref<10112x128xf32, #tpu.memory_space<vmem_shared>> -> memref<10112x128xf32, #tpu.memory_space<vmem_shared>>
        tpu.enqueue_indirect_dma source(%arg9 : memref<128x128xf32, #tpu.memory_space<vmem>>) target(%dma_start3A_72 : memref<10112x128xf32, #tpu.memory_space<vmem_shared>>) offsets(%dma_start3A_69 : memref<128xi32, #tpu.memory_space<vmem>>) semaphore(%run_scoped3A : memref<!tpu.dma_semaphore, #tpu.memory_space<semaphore_mem>>) {add = true}
        %dma_wait3A = arith.constant 0 : i32
        %dma_wait3A_73 = tpu.memref_slice %arg8[%scan3A_67, %dma_wait3A] : memref<79x128xi32, #tpu.memory_space<vmem>> -> memref<1x128xi32, #tpu.memory_space<vmem>>
        %dma_wait3A_74 = tpu.memref_squeeze %dma_wait3A_73 : memref<1x128xi32, #tpu.memory_space<vmem>> -> memref<128xi32, #tpu.memory_space<vmem>>
        %dma_wait3A_75 = arith.constant 0 : i32
        %dma_wait3A_76 = arith.constant 0 : i32
        %dma_wait3A_77 = tpu.memref_slice %arg10[%dma_wait3A_75, %dma_wait3A_76] : memref<10112x128xf32, #tpu.memory_space<vmem_shared>> -> memref<10112x128xf32, #tpu.memory_space<vmem_shared>>
        tpu.wait_indirect_dma semaphore(%run_scoped3A : memref<!tpu.dma_semaphore, #tpu.memory_space<semaphore_mem>>) src(%arg9 : memref<128x128xf32, #tpu.memory_space<vmem>>) dst(%dma_wait3A_77 : memref<10112x128xf32, #tpu.memory_space<vmem_shared>>)
        tpu.yield
      }) : () -> ()
    }
    %scan3A_25 = arith.constant 79 : i32
    %barrier3A_26 = arith.constant 0 : index
    tpu.barrier barrier_id(%barrier3A_26)
    %mul3A_27 = arith.constant 632 : i32
    %mul3A_28 = arith.muli %arg1, %mul3A_27 : i32
    %add3A_29 = arith.constant 0 : i32
    %add3A_30 = arith.addi %mul3A_28, %add3A_29 : i32
    "tpu.region"() ({
      %run_scoped3A = tpu.sem_alloc : memref<!tpu.dma_semaphore, #tpu.memory_space<semaphore_mem>>
      %dma_start3A = arith.constant 0 : i32
      %dma_start3A_67 = tpu.memref_slice %arg10[%add3A_30, %dma_start3A] : memref<10112x128xf32, #tpu.memory_space<vmem_shared>> -> memref<128x128xf32, #tpu.memory_space<vmem_shared>>
      %dma_start3A_68 = arith.constant 0 : i32
      %dma_start3A_69 = tpu.memref_slice %arg10[%add3A_30, %dma_start3A_68] : memref<10112x128xf32, #tpu.memory_space<vmem_shared>> -> memref<128x128xf32, #tpu.memory_space<vmem_shared>>
      tpu.enqueue_dma source(%dma_start3A_69 : memref<128x128xf32, #tpu.memory_space<vmem_shared>>) target(%arg9 : memref<128x128xf32, #tpu.memory_space<vmem>>) target_semaphore(%run_scoped3A : memref<!tpu.dma_semaphore, #tpu.memory_space<semaphore_mem>>)
      %dma_wait3A = arith.constant 0 : i32
      %dma_wait3A_70 = tpu.memref_slice %arg10[%add3A_30, %dma_wait3A] : memref<10112x128xf32, #tpu.memory_space<vmem_shared>> -> memref<128x128xf32, #tpu.memory_space<vmem_shared>>
      %dma_wait3A_71 = arith.constant 0 : i32
      %dma_wait3A_72 = tpu.memref_slice %arg10[%add3A_30, %dma_wait3A_71] : memref<10112x128xf32, #tpu.memory_space<vmem_shared>> -> memref<128x128xf32, #tpu.memory_space<vmem_shared>>
      tpu.wait_dma2 semaphore(%run_scoped3A : memref<!tpu.dma_semaphore, #tpu.memory_space<semaphore_mem>>) src(%dma_wait3A_72 : memref<128x128xf32, #tpu.memory_space<vmem_shared>>) dst(%arg9 : memref<128x128xf32, #tpu.memory_space<vmem>>)
      tpu.yield
    }) : () -> ()
    %mul3A_31 = arith.constant 632 : i32
    %mul3A_32 = arith.muli %arg1, %mul3A_31 : i32
    %add3A_33 = arith.constant 0 : i32
    %add3A_34 = arith.addi %mul3A_32, %add3A_33 : i32
    "tpu.region"() ({
      %run_scoped3A = tpu.sem_alloc : memref<!tpu.dma_semaphore, #tpu.memory_space<semaphore_mem>>
      %dma_start3A = arith.constant 0 : i32
      %dma_start3A_67 = tpu.memref_slice %arg6[%arg0, %add3A_34, %dma_start3A] : memref<2x10112x128xf32, #tpu.memory_space<hbm>> -> memref<1x128x128xf32, #tpu.memory_space<hbm>>
      %dma_start3A_68 = tpu.memref_squeeze %dma_start3A_67 : memref<1x128x128xf32, #tpu.memory_space<hbm>> -> memref<128x128xf32, #tpu.memory_space<hbm>>
      %dma_start3A_69 = arith.constant 0 : i32
      %dma_start3A_70 = tpu.memref_slice %arg6[%arg0, %add3A_34, %dma_start3A_69] : memref<2x10112x128xf32, #tpu.memory_space<hbm>> -> memref<1x128x128xf32, #tpu.memory_space<hbm>>
      %dma_start3A_71 = tpu.memref_squeeze %dma_start3A_70 : memref<1x128x128xf32, #tpu.memory_space<hbm>> -> memref<128x128xf32, #tpu.memory_space<hbm>>
      tpu.enqueue_dma source(%arg9 : memref<128x128xf32, #tpu.memory_space<vmem>>) target(%dma_start3A_71 : memref<128x128xf32, #tpu.memory_space<hbm>>) target_semaphore(%run_scoped3A : memref<!tpu.dma_semaphore, #tpu.memory_space<semaphore_mem>>)
      %dma_wait3A = arith.constant 0 : i32
      %dma_wait3A_72 = tpu.memref_slice %arg6[%arg0, %add3A_34, %dma_wait3A] : memref<2x10112x128xf32, #tpu.memory_space<hbm>> -> memref<1x128x128xf32, #tpu.memory_space<hbm>>
      %dma_wait3A_73 = tpu.memref_squeeze %dma_wait3A_72 : memref<1x128x128xf32, #tpu.memory_space<hbm>> -> memref<128x128xf32, #tpu.memory_space<hbm>>
      %dma_wait3A_74 = arith.constant 0 : i32
      %dma_wait3A_75 = tpu.memref_slice %arg6[%arg0, %add3A_34, %dma_wait3A_74] : memref<2x10112x128xf32, #tpu.memory_space<hbm>> -> memref<1x128x128xf32, #tpu.memory_space<hbm>>
      %dma_wait3A_76 = tpu.memref_squeeze %dma_wait3A_75 : memref<1x128x128xf32, #tpu.memory_space<hbm>> -> memref<128x128xf32, #tpu.memory_space<hbm>>
      tpu.wait_dma2 semaphore(%run_scoped3A : memref<!tpu.dma_semaphore, #tpu.memory_space<semaphore_mem>>) src(%arg9 : memref<128x128xf32, #tpu.memory_space<vmem>>) dst(%dma_wait3A_76 : memref<128x128xf32, #tpu.memory_space<hbm>>)
      tpu.yield
    }) : () -> ()
    %mul3A_35 = arith.constant 632 : i32
    %mul3A_36 = arith.muli %arg1, %mul3A_35 : i32
    %add3A_37 = arith.constant 128 : i32
    %add3A_38 = arith.addi %mul3A_36, %add3A_37 : i32
    "tpu.region"() ({
      %run_scoped3A = tpu.sem_alloc : memref<!tpu.dma_semaphore, #tpu.memory_space<semaphore_mem>>
      %dma_start3A = arith.constant 0 : i32
      %dma_start3A_67 = tpu.memref_slice %arg10[%add3A_38, %dma_start3A] : memref<10112x128xf32, #tpu.memory_space<vmem_shared>> -> memref<128x128xf32, #tpu.memory_space<vmem_shared>>
      %dma_start3A_68 = arith.constant 0 : i32
      %dma_start3A_69 = tpu.memref_slice %arg10[%add3A_38, %dma_start3A_68] : memref<10112x128xf32, #tpu.memory_space<vmem_shared>> -> memref<128x128xf32, #tpu.memory_space<vmem_shared>>
      tpu.enqueue_dma source(%dma_start3A_69 : memref<128x128xf32, #tpu.memory_space<vmem_shared>>) target(%arg9 : memref<128x128xf32, #tpu.memory_space<vmem>>) target_semaphore(%run_scoped3A : memref<!tpu.dma_semaphore, #tpu.memory_space<semaphore_mem>>)
      %dma_wait3A = arith.constant 0 : i32
      %dma_wait3A_70 = tpu.memref_slice %arg10[%add3A_38, %dma_wait3A] : memref<10112x128xf32, #tpu.memory_space<vmem_shared>> -> memref<128x128xf32, #tpu.memory_space<vmem_shared>>
      %dma_wait3A_71 = arith.constant 0 : i32
      %dma_wait3A_72 = tpu.memref_slice %arg10[%add3A_38, %dma_wait3A_71] : memref<10112x128xf32, #tpu.memory_space<vmem_shared>> -> memref<128x128xf32, #tpu.memory_space<vmem_shared>>
      tpu.wait_dma2 semaphore(%run_scoped3A : memref<!tpu.dma_semaphore, #tpu.memory_space<semaphore_mem>>) src(%dma_wait3A_72 : memref<128x128xf32, #tpu.memory_space<vmem_shared>>) dst(%arg9 : memref<128x128xf32, #tpu.memory_space<vmem>>)
      tpu.yield
    }) : () -> ()
    %mul3A_39 = arith.constant 632 : i32
    %mul3A_40 = arith.muli %arg1, %mul3A_39 : i32
    %add3A_41 = arith.constant 128 : i32
    %add3A_42 = arith.addi %mul3A_40, %add3A_41 : i32
    "tpu.region"() ({
      %run_scoped3A = tpu.sem_alloc : memref<!tpu.dma_semaphore, #tpu.memory_space<semaphore_mem>>
      %dma_start3A = arith.constant 0 : i32
      %dma_start3A_67 = tpu.memref_slice %arg6[%arg0, %add3A_42, %dma_start3A] : memref<2x10112x128xf32, #tpu.memory_space<hbm>> -> memref<1x128x128xf32, #tpu.memory_space<hbm>>
      %dma_start3A_68 = tpu.memref_squeeze %dma_start3A_67 : memref<1x128x128xf32, #tpu.memory_space<hbm>> -> memref<128x128xf32, #tpu.memory_space<hbm>>
      %dma_start3A_69 = arith.constant 0 : i32
      %dma_start3A_70 = tpu.memref_slice %arg6[%arg0, %add3A_42, %dma_start3A_69] : memref<2x10112x128xf32, #tpu.memory_space<hbm>> -> memref<1x128x128xf32, #tpu.memory_space<hbm>>
      %dma_start3A_71 = tpu.memref_squeeze %dma_start3A_70 : memref<1x128x128xf32, #tpu.memory_space<hbm>> -> memref<128x128xf32, #tpu.memory_space<hbm>>
      tpu.enqueue_dma source(%arg9 : memref<128x128xf32, #tpu.memory_space<vmem>>) target(%dma_start3A_71 : memref<128x128xf32, #tpu.memory_space<hbm>>) target_semaphore(%run_scoped3A : memref<!tpu.dma_semaphore, #tpu.memory_space<semaphore_mem>>)
      %dma_wait3A = arith.constant 0 : i32
      %dma_wait3A_72 = tpu.memref_slice %arg6[%arg0, %add3A_42, %dma_wait3A] : memref<2x10112x128xf32, #tpu.memory_space<hbm>> -> memref<1x128x128xf32, #tpu.memory_space<hbm>>
      %dma_wait3A_73 = tpu.memref_squeeze %dma_wait3A_72 : memref<1x128x128xf32, #tpu.memory_space<hbm>> -> memref<128x128xf32, #tpu.memory_space<hbm>>
      %dma_wait3A_74 = arith.constant 0 : i32
      %dma_wait3A_75 = tpu.memref_slice %arg6[%arg0, %add3A_42, %dma_wait3A_74] : memref<2x10112x128xf32, #tpu.memory_space<hbm>> -> memref<1x128x128xf32, #tpu.memory_space<hbm>>
      %dma_wait3A_76 = tpu.memref_squeeze %dma_wait3A_75 : memref<1x128x128xf32, #tpu.memory_space<hbm>> -> memref<128x128xf32, #tpu.memory_space<hbm>>
      tpu.wait_dma2 semaphore(%run_scoped3A : memref<!tpu.dma_semaphore, #tpu.memory_space<semaphore_mem>>) src(%arg9 : memref<128x128xf32, #tpu.memory_space<vmem>>) dst(%dma_wait3A_76 : memref<128x128xf32, #tpu.memory_space<hbm>>)
      tpu.yield
    }) : () -> ()
    %mul3A_43 = arith.constant 632 : i32
    %mul3A_44 = arith.muli %arg1, %mul3A_43 : i32
    %add3A_45 = arith.constant 256 : i32
    %add3A_46 = arith.addi %mul3A_44, %add3A_45 : i32
    "tpu.region"() ({
      %run_scoped3A = tpu.sem_alloc : memref<!tpu.dma_semaphore, #tpu.memory_space<semaphore_mem>>
      %dma_start3A = arith.constant 0 : i32
      %dma_start3A_67 = tpu.memref_slice %arg10[%add3A_46, %dma_start3A] : memref<10112x128xf32, #tpu.memory_space<vmem_shared>> -> memref<128x128xf32, #tpu.memory_space<vmem_shared>>
      %dma_start3A_68 = arith.constant 0 : i32
      %dma_start3A_69 = tpu.memref_slice %arg10[%add3A_46, %dma_start3A_68] : memref<10112x128xf32, #tpu.memory_space<vmem_shared>> -> memref<128x128xf32, #tpu.memory_space<vmem_shared>>
      tpu.enqueue_dma source(%dma_start3A_69 : memref<128x128xf32, #tpu.memory_space<vmem_shared>>) target(%arg9 : memref<128x128xf32, #tpu.memory_space<vmem>>) target_semaphore(%run_scoped3A : memref<!tpu.dma_semaphore, #tpu.memory_space<semaphore_mem>>)
      %dma_wait3A = arith.constant 0 : i32
      %dma_wait3A_70 = tpu.memref_slice %arg10[%add3A_46, %dma_wait3A] : memref<10112x128xf32, #tpu.memory_space<vmem_shared>> -> memref<128x128xf32, #tpu.memory_space<vmem_shared>>
      %dma_wait3A_71 = arith.constant 0 : i32
      %dma_wait3A_72 = tpu.memref_slice %arg10[%add3A_46, %dma_wait3A_71] : memref<10112x128xf32, #tpu.memory_space<vmem_shared>> -> memref<128x128xf32, #tpu.memory_space<vmem_shared>>
      tpu.wait_dma2 semaphore(%run_scoped3A : memref<!tpu.dma_semaphore, #tpu.memory_space<semaphore_mem>>) src(%dma_wait3A_72 : memref<128x128xf32, #tpu.memory_space<vmem_shared>>) dst(%arg9 : memref<128x128xf32, #tpu.memory_space<vmem>>)
      tpu.yield
    }) : () -> ()
    %mul3A_47 = arith.constant 632 : i32
    %mul3A_48 = arith.muli %arg1, %mul3A_47 : i32
    %add3A_49 = arith.constant 256 : i32
    %add3A_50 = arith.addi %mul3A_48, %add3A_49 : i32
    "tpu.region"() ({
      %run_scoped3A = tpu.sem_alloc : memref<!tpu.dma_semaphore, #tpu.memory_space<semaphore_mem>>
      %dma_start3A = arith.constant 0 : i32
      %dma_start3A_67 = tpu.memref_slice %arg6[%arg0, %add3A_50, %dma_start3A] : memref<2x10112x128xf32, #tpu.memory_space<hbm>> -> memref<1x128x128xf32, #tpu.memory_space<hbm>>
      %dma_start3A_68 = tpu.memref_squeeze %dma_start3A_67 : memref<1x128x128xf32, #tpu.memory_space<hbm>> -> memref<128x128xf32, #tpu.memory_space<hbm>>
      %dma_start3A_69 = arith.constant 0 : i32
      %dma_start3A_70 = tpu.memref_slice %arg6[%arg0, %add3A_50, %dma_start3A_69] : memref<2x10112x128xf32, #tpu.memory_space<hbm>> -> memref<1x128x128xf32, #tpu.memory_space<hbm>>
      %dma_start3A_71 = tpu.memref_squeeze %dma_start3A_70 : memref<1x128x128xf32, #tpu.memory_space<hbm>> -> memref<128x128xf32, #tpu.memory_space<hbm>>
      tpu.enqueue_dma source(%arg9 : memref<128x128xf32, #tpu.memory_space<vmem>>) target(%dma_start3A_71 : memref<128x128xf32, #tpu.memory_space<hbm>>) target_semaphore(%run_scoped3A : memref<!tpu.dma_semaphore, #tpu.memory_space<semaphore_mem>>)
      %dma_wait3A = arith.constant 0 : i32
      %dma_wait3A_72 = tpu.memref_slice %arg6[%arg0, %add3A_50, %dma_wait3A] : memref<2x10112x128xf32, #tpu.memory_space<hbm>> -> memref<1x128x128xf32, #tpu.memory_space<hbm>>
      %dma_wait3A_73 = tpu.memref_squeeze %dma_wait3A_72 : memref<1x128x128xf32, #tpu.memory_space<hbm>> -> memref<128x128xf32, #tpu.memory_space<hbm>>
      %dma_wait3A_74 = arith.constant 0 : i32
      %dma_wait3A_75 = tpu.memref_slice %arg6[%arg0, %add3A_50, %dma_wait3A_74] : memref<2x10112x128xf32, #tpu.memory_space<hbm>> -> memref<1x128x128xf32, #tpu.memory_space<hbm>>
      %dma_wait3A_76 = tpu.memref_squeeze %dma_wait3A_75 : memref<1x128x128xf32, #tpu.memory_space<hbm>> -> memref<128x128xf32, #tpu.memory_space<hbm>>
      tpu.wait_dma2 semaphore(%run_scoped3A : memref<!tpu.dma_semaphore, #tpu.memory_space<semaphore_mem>>) src(%arg9 : memref<128x128xf32, #tpu.memory_space<vmem>>) dst(%dma_wait3A_76 : memref<128x128xf32, #tpu.memory_space<hbm>>)
      tpu.yield
    }) : () -> ()
    %mul3A_51 = arith.constant 632 : i32
    %mul3A_52 = arith.muli %arg1, %mul3A_51 : i32
    %add3A_53 = arith.constant 384 : i32
    %add3A_54 = arith.addi %mul3A_52, %add3A_53 : i32
    "tpu.region"() ({
      %run_scoped3A = tpu.sem_alloc : memref<!tpu.dma_semaphore, #tpu.memory_space<semaphore_mem>>
      %dma_start3A = arith.constant 0 : i32
      %dma_start3A_67 = tpu.memref_slice %arg10[%add3A_54, %dma_start3A] : memref<10112x128xf32, #tpu.memory_space<vmem_shared>> -> memref<128x128xf32, #tpu.memory_space<vmem_shared>>
      %dma_start3A_68 = arith.constant 0 : i32
      %dma_start3A_69 = tpu.memref_slice %arg10[%add3A_54, %dma_start3A_68] : memref<10112x128xf32, #tpu.memory_space<vmem_shared>> -> memref<128x128xf32, #tpu.memory_space<vmem_shared>>
      tpu.enqueue_dma source(%dma_start3A_69 : memref<128x128xf32, #tpu.memory_space<vmem_shared>>) target(%arg9 : memref<128x128xf32, #tpu.memory_space<vmem>>) target_semaphore(%run_scoped3A : memref<!tpu.dma_semaphore, #tpu.memory_space<semaphore_mem>>)
      %dma_wait3A = arith.constant 0 : i32
      %dma_wait3A_70 = tpu.memref_slice %arg10[%add3A_54, %dma_wait3A] : memref<10112x128xf32, #tpu.memory_space<vmem_shared>> -> memref<128x128xf32, #tpu.memory_space<vmem_shared>>
      %dma_wait3A_71 = arith.constant 0 : i32
      %dma_wait3A_72 = tpu.memref_slice %arg10[%add3A_54, %dma_wait3A_71] : memref<10112x128xf32, #tpu.memory_space<vmem_shared>> -> memref<128x128xf32, #tpu.memory_space<vmem_shared>>
      tpu.wait_dma2 semaphore(%run_scoped3A : memref<!tpu.dma_semaphore, #tpu.memory_space<semaphore_mem>>) src(%dma_wait3A_72 : memref<128x128xf32, #tpu.memory_space<vmem_shared>>) dst(%arg9 : memref<128x128xf32, #tpu.memory_space<vmem>>)
      tpu.yield
    }) : () -> ()
    %mul3A_55 = arith.constant 632 : i32
    %mul3A_56 = arith.muli %arg1, %mul3A_55 : i32
    %add3A_57 = arith.constant 384 : i32
    %add3A_58 = arith.addi %mul3A_56, %add3A_57 : i32
    "tpu.region"() ({
      %run_scoped3A = tpu.sem_alloc : memref<!tpu.dma_semaphore, #tpu.memory_space<semaphore_mem>>
      %dma_start3A = arith.constant 0 : i32
      %dma_start3A_67 = tpu.memref_slice %arg6[%arg0, %add3A_58, %dma_start3A] : memref<2x10112x128xf32, #tpu.memory_space<hbm>> -> memref<1x128x128xf32, #tpu.memory_space<hbm>>
      %dma_start3A_68 = tpu.memref_squeeze %dma_start3A_67 : memref<1x128x128xf32, #tpu.memory_space<hbm>> -> memref<128x128xf32, #tpu.memory_space<hbm>>
      %dma_start3A_69 = arith.constant 0 : i32
      %dma_start3A_70 = tpu.memref_slice %arg6[%arg0, %add3A_58, %dma_start3A_69] : memref<2x10112x128xf32, #tpu.memory_space<hbm>> -> memref<1x128x128xf32, #tpu.memory_space<hbm>>
      %dma_start3A_71 = tpu.memref_squeeze %dma_start3A_70 : memref<1x128x128xf32, #tpu.memory_space<hbm>> -> memref<128x128xf32, #tpu.memory_space<hbm>>
      tpu.enqueue_dma source(%arg9 : memref<128x128xf32, #tpu.memory_space<vmem>>) target(%dma_start3A_71 : memref<128x128xf32, #tpu.memory_space<hbm>>) target_semaphore(%run_scoped3A : memref<!tpu.dma_semaphore, #tpu.memory_space<semaphore_mem>>)
      %dma_wait3A = arith.constant 0 : i32
      %dma_wait3A_72 = tpu.memref_slice %arg6[%arg0, %add3A_58, %dma_wait3A] : memref<2x10112x128xf32, #tpu.memory_space<hbm>> -> memref<1x128x128xf32, #tpu.memory_space<hbm>>
      %dma_wait3A_73 = tpu.memref_squeeze %dma_wait3A_72 : memref<1x128x128xf32, #tpu.memory_space<hbm>> -> memref<128x128xf32, #tpu.memory_space<hbm>>
      %dma_wait3A_74 = arith.constant 0 : i32
      %dma_wait3A_75 = tpu.memref_slice %arg6[%arg0, %add3A_58, %dma_wait3A_74] : memref<2x10112x128xf32, #tpu.memory_space<hbm>> -> memref<1x128x128xf32, #tpu.memory_space<hbm>>
      %dma_wait3A_76 = tpu.memref_squeeze %dma_wait3A_75 : memref<1x128x128xf32, #tpu.memory_space<hbm>> -> memref<128x128xf32, #tpu.memory_space<hbm>>
      tpu.wait_dma2 semaphore(%run_scoped3A : memref<!tpu.dma_semaphore, #tpu.memory_space<semaphore_mem>>) src(%arg9 : memref<128x128xf32, #tpu.memory_space<vmem>>) dst(%dma_wait3A_76 : memref<128x128xf32, #tpu.memory_space<hbm>>)
      tpu.yield
    }) : () -> ()
    %mul3A_59 = arith.constant 632 : i32
    %mul3A_60 = arith.muli %arg1, %mul3A_59 : i32
    %add3A_61 = arith.constant 512 : i32
    %add3A_62 = arith.addi %mul3A_60, %add3A_61 : i32
    "tpu.region"() ({
      %run_scoped3A = tpu.sem_alloc : memref<!tpu.dma_semaphore, #tpu.memory_space<semaphore_mem>>
      %dma_start3A = arith.constant 0 : i32
      %dma_start3A_67 = arith.constant 0 : i32
      %dma_start3A_68 = tpu.memref_slice %arg9[%dma_start3A, %dma_start3A_67] : memref<128x128xf32, #tpu.memory_space<vmem>> -> memref<120x128xf32, #tpu.memory_space<vmem>>
      %dma_start3A_69 = arith.constant 0 : i32
      %dma_start3A_70 = tpu.memref_slice %arg10[%add3A_62, %dma_start3A_69] : memref<10112x128xf32, #tpu.memory_space<vmem_shared>> -> memref<120x128xf32, #tpu.memory_space<vmem_shared>>
      %dma_start3A_71 = arith.constant 0 : i32
      %dma_start3A_72 = arith.constant 0 : i32
      %dma_start3A_73 = tpu.memref_slice %arg9[%dma_start3A_71, %dma_start3A_72] : memref<128x128xf32, #tpu.memory_space<vmem>> -> memref<120x128xf32, #tpu.memory_space<vmem>>
      %dma_start3A_74 = arith.constant 0 : i32
      %dma_start3A_75 = tpu.memref_slice %arg10[%add3A_62, %dma_start3A_74] : memref<10112x128xf32, #tpu.memory_space<vmem_shared>> -> memref<120x128xf32, #tpu.memory_space<vmem_shared>>
      tpu.enqueue_dma source(%dma_start3A_75 : memref<120x128xf32, #tpu.memory_space<vmem_shared>>) target(%dma_start3A_73 : memref<120x128xf32, #tpu.memory_space<vmem>>) target_semaphore(%run_scoped3A : memref<!tpu.dma_semaphore, #tpu.memory_space<semaphore_mem>>)
      %dma_wait3A = arith.constant 0 : i32
      %dma_wait3A_76 = arith.constant 0 : i32
      %dma_wait3A_77 = tpu.memref_slice %arg9[%dma_wait3A, %dma_wait3A_76] : memref<128x128xf32, #tpu.memory_space<vmem>> -> memref<120x128xf32, #tpu.memory_space<vmem>>
      %dma_wait3A_78 = arith.constant 0 : i32
      %dma_wait3A_79 = tpu.memref_slice %arg10[%add3A_62, %dma_wait3A_78] : memref<10112x128xf32, #tpu.memory_space<vmem_shared>> -> memref<120x128xf32, #tpu.memory_space<vmem_shared>>
      %dma_wait3A_80 = arith.constant 0 : i32
      %dma_wait3A_81 = arith.constant 0 : i32
      %dma_wait3A_82 = tpu.memref_slice %arg9[%dma_wait3A_80, %dma_wait3A_81] : memref<128x128xf32, #tpu.memory_space<vmem>> -> memref<120x128xf32, #tpu.memory_space<vmem>>
      %dma_wait3A_83 = arith.constant 0 : i32
      %dma_wait3A_84 = tpu.memref_slice %arg10[%add3A_62, %dma_wait3A_83] : memref<10112x128xf32, #tpu.memory_space<vmem_shared>> -> memref<120x128xf32, #tpu.memory_space<vmem_shared>>
      tpu.wait_dma2 semaphore(%run_scoped3A : memref<!tpu.dma_semaphore, #tpu.memory_space<semaphore_mem>>) src(%dma_wait3A_84 : memref<120x128xf32, #tpu.memory_space<vmem_shared>>) dst(%dma_wait3A_82 : memref<120x128xf32, #tpu.memory_space<vmem>>)
      tpu.yield
    }) : () -> ()
    %mul3A_63 = arith.constant 632 : i32
    %mul3A_64 = arith.muli %arg1, %mul3A_63 : i32
    %add3A_65 = arith.constant 512 : i32
    %add3A_66 = arith.addi %mul3A_64, %add3A_65 : i32
    "tpu.region"() ({
      %run_scoped3A = tpu.sem_alloc : memref<!tpu.dma_semaphore, #tpu.memory_space<semaphore_mem>>
      %dma_start3A = arith.constant 0 : i32
      %dma_start3A_67 = arith.constant 0 : i32
      %dma_start3A_68 = tpu.memref_slice %arg9[%dma_start3A, %dma_start3A_67] : memref<128x128xf32, #tpu.memory_space<vmem>> -> memref<120x128xf32, #tpu.memory_space<vmem>>
      %dma_start3A_69 = arith.constant 0 : i32
      %dma_start3A_70 = tpu.memref_slice %arg6[%arg0, %add3A_66, %dma_start3A_69] : memref<2x10112x128xf32, #tpu.memory_space<hbm>> -> memref<1x120x128xf32, #tpu.memory_space<hbm>>
      %dma_start3A_71 = tpu.memref_squeeze %dma_start3A_70 : memref<1x120x128xf32, #tpu.memory_space<hbm>> -> memref<120x128xf32, #tpu.memory_space<hbm>>
      %dma_start3A_72 = arith.constant 0 : i32
      %dma_start3A_73 = tpu.memref_slice %arg6[%arg0, %add3A_66, %dma_start3A_72] : memref<2x10112x128xf32, #tpu.memory_space<hbm>> -> memref<1x120x128xf32, #tpu.memory_space<hbm>>
      %dma_start3A_74 = tpu.memref_squeeze %dma_start3A_73 : memref<1x120x128xf32, #tpu.memory_space<hbm>> -> memref<120x128xf32, #tpu.memory_space<hbm>>
      %dma_start3A_75 = arith.constant 0 : i32
      %dma_start3A_76 = arith.constant 0 : i32
      %dma_start3A_77 = tpu.memref_slice %arg9[%dma_start3A_75, %dma_start3A_76] : memref<128x128xf32, #tpu.memory_space<vmem>> -> memref<120x128xf32, #tpu.memory_space<vmem>>
      tpu.enqueue_dma source(%dma_start3A_77 : memref<120x128xf32, #tpu.memory_space<vmem>>) target(%dma_start3A_74 : memref<120x128xf32, #tpu.memory_space<hbm>>) target_semaphore(%run_scoped3A : memref<!tpu.dma_semaphore, #tpu.memory_space<semaphore_mem>>)
      %dma_wait3A = arith.constant 0 : i32
      %dma_wait3A_78 = arith.constant 0 : i32
      %dma_wait3A_79 = tpu.memref_slice %arg9[%dma_wait3A, %dma_wait3A_78] : memref<128x128xf32, #tpu.memory_space<vmem>> -> memref<120x128xf32, #tpu.memory_space<vmem>>
      %dma_wait3A_80 = arith.constant 0 : i32
      %dma_wait3A_81 = tpu.memref_slice %arg6[%arg0, %add3A_66, %dma_wait3A_80] : memref<2x10112x128xf32, #tpu.memory_space<hbm>> -> memref<1x120x128xf32, #tpu.memory_space<hbm>>
      %dma_wait3A_82 = tpu.memref_squeeze %dma_wait3A_81 : memref<1x120x128xf32, #tpu.memory_space<hbm>> -> memref<120x128xf32, #tpu.memory_space<hbm>>
      %dma_wait3A_83 = arith.constant 0 : i32
      %dma_wait3A_84 = tpu.memref_slice %arg6[%arg0, %add3A_66, %dma_wait3A_83] : memref<2x10112x128xf32, #tpu.memory_space<hbm>> -> memref<1x120x128xf32, #tpu.memory_space<hbm>>
      %dma_wait3A_85 = tpu.memref_squeeze %dma_wait3A_84 : memref<1x120x128xf32, #tpu.memory_space<hbm>> -> memref<120x128xf32, #tpu.memory_space<hbm>>
      %dma_wait3A_86 = arith.constant 0 : i32
      %dma_wait3A_87 = arith.constant 0 : i32
      %dma_wait3A_88 = tpu.memref_slice %arg9[%dma_wait3A_86, %dma_wait3A_87] : memref<128x128xf32, #tpu.memory_space<vmem>> -> memref<120x128xf32, #tpu.memory_space<vmem>>
      tpu.wait_dma2 semaphore(%run_scoped3A : memref<!tpu.dma_semaphore, #tpu.memory_space<semaphore_mem>>) src(%dma_wait3A_88 : memref<120x128xf32, #tpu.memory_space<vmem>>) dst(%dma_wait3A_85 : memref<120x128xf32, #tpu.memory_space<hbm>>)
      tpu.yield
    }) : () -> ()
    return
  }
}

module attributes {stable_mosaic.version = 14 : i64} {
  func.func @_tc1_body(%arg0: i32, %arg1: memref<1000x128xf32, #tpu.memory_space<vmem>>, %arg2: memref<128x128xf32, #tpu.memory_space<vmem>>, %arg3: memref<1000x1xf32, #tpu.memory_space<vmem>>, %arg4: memref<1000x1xf32, #tpu.memory_space<vmem>>, %arg5: memref<1000x128xf32, #tpu.memory_space<vmem>>, %arg6: memref<1000x1xf32, #tpu.memory_space<vmem>>) attributes {dimension_semantics = [#tpu.dimension_semantics<arbitrary>], iteration_bounds = array<i64: 10>, scalar_prefetch = 0 : i64, scratch_operands = 0 : i64, tpu.core_type = #tpu.core_type<tc>, window_params = [{transform_indices = @transform_0, window_bounds = array<i64: 1000, 128>}, {pipeline_mode = #tpu.pipeline_mode<synchronous>, transform_indices = @transform_1, window_bounds = array<i64: 128, 128>}, {transform_indices = @transform_2, window_bounds = array<i64: 1000, 1>}, {transform_indices = @transform_3, window_bounds = array<i64: 1000, 1>}, {transform_indices = @transform_4, window_bounds = array<i64: 1000, 128>}, {transform_indices = @transform_5, window_bounds = array<i64: 1000, 1>}]} {
    %get3A = arith.constant 0 : index
    %get3A_0 = arith.constant 0 : index
    %get3A_1 = vector.load %arg1[%get3A, %get3A_0] : memref<1000x128xf32, #tpu.memory_space<vmem>>, vector<1000x128xf32>
    %get3A_2 = arith.constant 0 : index
    %get3A_3 = arith.constant 0 : index
    %get3A_4 = vector.load %arg2[%get3A_2, %get3A_3] : memref<128x128xf32, #tpu.memory_space<vmem>>, vector<128x128xf32>
    %dot_general3A = arith.constant dense<0.000000e+00> : vector<1000x128xf32>
    %dot_general3A_5 = tpu.matmul %get3A_1, %get3A_4, %dot_general3A {dimension_numbers = #tpu.dot_dimension_numbers<[1], [0], [0], [1], [0, 0, 1, 1], [], []>, transpose_lhs_hint = false} : vector<1000x128xf32>, vector<128x128xf32>, vector<1000x128xf32> -> vector<1000x128xf32>
    %get3A_6 = arith.constant 0 : index
    %get3A_7 = arith.constant 0 : index
    %get3A_8 = vector.load %arg3[%get3A_6, %get3A_7] : memref<1000x1xf32, #tpu.memory_space<vmem>>, vector<1000x1xf32>
    %get3A_9 = arith.constant 0 : index
    %get3A_10 = arith.constant 0 : index
    %get3A_11 = vector.load %arg4[%get3A_9, %get3A_10] : memref<1000x1xf32, #tpu.memory_space<vmem>>, vector<1000x1xf32>
    %add3A = arith.addf %get3A_8, %get3A_11 : vector<1000x1xf32>
    %add3A_12 = arith.constant 1.000000e+00 : f32
    %add3A_13 = vector.broadcast %add3A_12 : f32 to vector<1000x1xf32>
    %add3A_14 = arith.addf %add3A, %add3A_13 : vector<1000x1xf32>
    %rsqrt3A = math.rsqrt %add3A_14 : vector<1000x1xf32>
    %mul3A = vector.broadcast %rsqrt3A : vector<1000x1xf32> to vector<1000x128xf32>
    %mul3A_15 = arith.mulf %dot_general3A_5, %mul3A : vector<1000x128xf32>
    %swap3A = arith.constant 0 : index
    %swap3A_16 = arith.constant 0 : index
    %swap3A_17 = vector.load %arg5[%swap3A, %swap3A_16] : memref<1000x128xf32, #tpu.memory_space<vmem>>, vector<1000x128xf32>
    tpu.vector_store %arg5[%swap3A, %swap3A_16], %mul3A_15 {strides = array<i32>} : memref<1000x128xf32, #tpu.memory_space<vmem>>, vector<1000x128xf32>,
    %swap3A_18 = arith.constant 0 : index
    %swap3A_19 = arith.constant 0 : index
    %swap3A_20 = vector.load %arg6[%swap3A_18, %swap3A_19] : memref<1000x1xf32, #tpu.memory_space<vmem>>, vector<1000x1xf32>
    tpu.vector_store %arg6[%swap3A_18, %swap3A_19], %rsqrt3A {strides = array<i32>} : memref<1000x1xf32, #tpu.memory_space<vmem>>, vector<1000x1xf32>,
    return
  }
  func.func @transform_0(%arg0: i32) -> (i32, i32) {
    %c0_i32 = arith.constant 0 : i32
    %c0_i32_0 = arith.constant 0 : i32
    return %arg0, %c0_i32 : i32, i32
  }
  func.func @transform_1(%arg0: i32) -> (i32, i32) {
    %c0_i32 = arith.constant 0 : i32
    %c0_i32_0 = arith.constant 0 : i32
    %c0_i32_1 = arith.constant 0 : i32
    return %c0_i32, %c0_i32_0 : i32, i32
  }
  func.func @transform_2(%arg0: i32) -> (i32, i32) {
    %c0_i32 = arith.constant 0 : i32
    %c0_i32_0 = arith.constant 0 : i32
    return %arg0, %c0_i32 : i32, i32
  }
  func.func @transform_3(%arg0: i32) -> (i32, i32) {
    %c0_i32 = arith.constant 0 : i32
    %c0_i32_0 = arith.constant 0 : i32
    return %arg0, %c0_i32 : i32, i32
  }
  func.func @transform_4(%arg0: i32) -> (i32, i32) {
    %c0_i32 = arith.constant 0 : i32
    %c0_i32_0 = arith.constant 0 : i32
    return %arg0, %c0_i32 : i32, i32
  }
  func.func @transform_5(%arg0: i32) -> (i32, i32) {
    %c0_i32 = arith.constant 0 : i32
    %c0_i32_0 = arith.constant 0 : i32
    return %arg0, %c0_i32 : i32, i32
  }
}

module attributes {stable_mosaic.version = 14 : i64} {
  func.func @_tc2_body(%arg0: i32, %arg1: memref<1000x128xf32, #tpu.memory_space<vmem>>, %arg2: memref<1000x128xf32, #tpu.memory_space<vmem>>, %arg3: memref<1000x128xf32, #tpu.memory_space<vmem>>, %arg4: memref<1000x1xf32, #tpu.memory_space<vmem>>, %arg5: memref<1x128xf32, #tpu.memory_space<vmem>>, %arg6: memref<128x384xf32, #tpu.memory_space<vmem>>, %arg7: memref<1x384xf32, #tpu.memory_space<vmem>>, %arg8: memref<128x384xf32, #tpu.memory_space<vmem>>, %arg9: memref<1x128xf32, #tpu.memory_space<vmem>>, %arg10: memref<1x128xf32, #tpu.memory_space<vmem>>, %arg11: memref<1000x128xf32, #tpu.memory_space<vmem>>, %arg12: memref<1x128xf32, #tpu.memory_space<vmem>>, %arg13: memref<1000x384xf32, #tpu.memory_space<vmem>>, %arg14: memref<1x128xf32, #tpu.memory_space<vmem>>) attributes {dimension_semantics = [#tpu.dimension_semantics<arbitrary>], iteration_bounds = array<i64: 10>, scalar_prefetch = 0 : i64, scratch_operands = 2 : i64, tpu.core_type = #tpu.core_type<tc>, window_params = [{transform_indices = @transform_0, window_bounds = array<i64: 1000, 128>}, {transform_indices = @transform_1, window_bounds = array<i64: 1000, 128>}, {transform_indices = @transform_2, window_bounds = array<i64: 1000, 128>}, {transform_indices = @transform_3, window_bounds = array<i64: 1000, 1>}, {pipeline_mode = #tpu.pipeline_mode<synchronous>, transform_indices = @transform_4, window_bounds = array<i64: 1, 128>}, {pipeline_mode = #tpu.pipeline_mode<synchronous>, transform_indices = @transform_5, window_bounds = array<i64: 128, 384>}, {pipeline_mode = #tpu.pipeline_mode<synchronous>, transform_indices = @transform_6, window_bounds = array<i64: 1, 384>}, {pipeline_mode = #tpu.pipeline_mode<synchronous>, transform_indices = @transform_7, window_bounds = array<i64: 128, 384>}, {pipeline_mode = #tpu.pipeline_mode<synchronous>, transform_indices = @transform_8, window_bounds = array<i64: 1, 128>}, {pipeline_mode = #tpu.pipeline_mode<synchronous>, transform_indices = @transform_9, window_bounds = array<i64: 1, 128>}, {transform_indices = @transform_10, window_bounds = array<i64: 1000, 128>}, {pipeline_mode = #tpu.pipeline_mode<synchronous>, transform_indices = @transform_11, window_bounds = array<i64: 1, 128>}]} {
    %eq3A = arith.constant 0 : i32
    %eq3A_0 = arith.cmpi eq, %arg0, %eq3A : i32
    %convert_element_type3A = arith.extui %eq3A_0 : i1 to i32
    %cond3A = arith.constant 0 : i32
    %cond3A_1 = arith.cmpi ne, %convert_element_type3A, %cond3A : i32
    scf.if %cond3A_1 {
      %get3A_51 = arith.constant 0 : index
      %get3A_52 = arith.constant 0 : index
      %get3A_53 = vector.load %arg10[%get3A_51, %get3A_52] : memref<1x128xf32, #tpu.memory_space<vmem>>, vector<1x128xf32>
      %swap3A_54 = arith.constant 0 : index
      %swap3A_55 = arith.constant 0 : index
      %swap3A_56 = vector.load %arg14[%swap3A_54, %swap3A_55] : memref<1x128xf32, #tpu.memory_space<vmem>>, vector<1x128xf32>
      tpu.vector_store %arg14[%swap3A_54, %swap3A_55], %get3A_53 {strides = array<i32>} : memref<1x128xf32, #tpu.memory_space<vmem>>, vector<1x128xf32>,
    } else {
    }
    %get3A = arith.constant 0 : index
    %get3A_2 = arith.constant 0 : index
    %get3A_3 = vector.load %arg1[%get3A, %get3A_2] : memref<1000x128xf32, #tpu.memory_space<vmem>>, vector<1000x128xf32>
    %get3A_4 = arith.constant 0 : index
    %get3A_5 = arith.constant 0 : index
    %get3A_6 = vector.load %arg2[%get3A_4, %get3A_5] : memref<1000x128xf32, #tpu.memory_space<vmem>>, vector<1000x128xf32>
    %add3A = arith.addf %get3A_3, %get3A_6 : vector<1000x128xf32>
    %get3A_7 = arith.constant 0 : index
    %get3A_8 = arith.constant 0 : index
    %get3A_9 = vector.load %arg3[%get3A_7, %get3A_8] : memref<1000x128xf32, #tpu.memory_space<vmem>>, vector<1000x128xf32>
    %add3A_10 = arith.addf %add3A, %get3A_9 : vector<1000x128xf32>
    %get3A_11 = arith.constant 0 : index
    %get3A_12 = arith.constant 0 : index
    %get3A_13 = vector.load %arg4[%get3A_11, %get3A_12] : memref<1000x1xf32, #tpu.memory_space<vmem>>, vector<1000x1xf32>
    %mul3A = vector.broadcast %get3A_13 : vector<1000x1xf32> to vector<1000x128xf32>
    %mul3A_14 = arith.mulf %add3A_10, %mul3A : vector<1000x128xf32>
    %get3A_15 = arith.constant 0 : index
    %get3A_16 = arith.constant 0 : index
    %get3A_17 = vector.load %arg5[%get3A_15, %get3A_16] : memref<1x128xf32, #tpu.memory_space<vmem>>, vector<1x128xf32>
    %add3A_18 = vector.broadcast %get3A_17 : vector<1x128xf32> to vector<1000x128xf32>
    %add3A_19 = arith.addf %mul3A_14, %add3A_18 : vector<1000x128xf32>
    %get3A_20 = arith.constant 0 : index
    %get3A_21 = arith.constant 0 : index
    %get3A_22 = vector.load %arg6[%get3A_20, %get3A_21] : memref<128x384xf32, #tpu.memory_space<vmem>>, vector<128x384xf32>
    %dot_general3A = arith.constant dense<0.000000e+00> : vector<1000x384xf32>
    %dot_general3A_23 = tpu.matmul %add3A_19, %get3A_22, %dot_general3A {dimension_numbers = #tpu.dot_dimension_numbers<[1], [0], [0], [1], [0, 0, 1, 1], [], []>, transpose_lhs_hint = false} : vector<1000x128xf32>, vector<128x384xf32>, vector<1000x384xf32> -> vector<1000x384xf32>
    %get3A_24 = arith.constant 0 : index
    %get3A_25 = arith.constant 0 : index
    %get3A_26 = vector.load %arg7[%get3A_24, %get3A_25] : memref<1x384xf32, #tpu.memory_space<vmem>>, vector<1x384xf32>
    %add3A_27 = vector.broadcast %get3A_26 : vector<1x384xf32> to vector<1000x384xf32>
    %add3A_28 = arith.addf %dot_general3A_23, %add3A_27 : vector<1000x384xf32>
    %swap3A = arith.constant 0 : index
    %swap3A_29 = arith.constant 0 : index
    %swap3A_30 = vector.load %arg13[%swap3A, %swap3A_29] : memref<1000x384xf32, #tpu.memory_space<vmem>>, vector<1000x384xf32>
    tpu.vector_store %arg13[%swap3A, %swap3A_29], %add3A_28 {strides = array<i32>} : memref<1000x384xf32, #tpu.memory_space<vmem>>, vector<1000x384xf32>,
    %get3A_31 = arith.constant 0 : index
    %get3A_32 = arith.constant 0 : index
    %get3A_33 = vector.load %arg8[%get3A_31, %get3A_32] : memref<128x384xf32, #tpu.memory_space<vmem>>, vector<128x384xf32>
    %get3A_34 = arith.constant 0 : index
    %get3A_35 = arith.constant 0 : index
    %get3A_36 = vector.load %arg9[%get3A_34, %get3A_35] : memref<1x128xf32, #tpu.memory_space<vmem>>, vector<1x128xf32>
    %get3A_37 = arith.constant 0 : index
    %get3A_38 = arith.constant 0 : index
    %get3A_39 = vector.load %arg14[%get3A_37, %get3A_38] : memref<1x128xf32, #tpu.memory_space<vmem>>, vector<1x128xf32>
    %scan3A = arith.constant 0 : i32
    %scan3A_40 = arith.constant 250 : i32
    %scan3A_41 = arith.addi %scan3A, %scan3A_40 : i32
    %scan3A_42 = arith.constant 1 : i32
    %scan3A_43 = scf.for %scan3A_51 = %scan3A to %scan3A_41 step %scan3A_42 iter_args(%scan3A_52 = %get3A_39) -> (vector<1x128xf32>)  : i32 {
      %mul3A_53 = arith.constant 4 : i32
      %mul3A_54 = arith.muli %scan3A_51, %mul3A_53 : i32
      %add3A_55 = arith.constant 0 : i32
      %add3A_56 = arith.addi %mul3A_54, %add3A_55 : i32
      %dot_general3A_57 = arith.constant dense<0.000000e+00> : vector<1x384xf32>
      %dot_general3A_58 = tpu.matmul %scan3A_52, %get3A_33, %dot_general3A_57 {dimension_numbers = #tpu.dot_dimension_numbers<[1], [0], [0], [1], [0, 0, 1, 1], [], []>, transpose_lhs_hint = false} : vector<1x128xf32>, vector<128x384xf32>, vector<1x384xf32> -> vector<1x384xf32>
      %get3A_59 = arith.index_cast %add3A_56 : i32 to index
      %get3A_60 = arith.constant 0 : index
      %get3A_61 = vector.load %arg13[%get3A_59, %get3A_60] : memref<1000x384xf32, #tpu.memory_space<vmem>>, vector<1x384xf32>
      %slice3A = vector.extract_strided_slice %get3A_61 {offsets = [0, 0], sizes = [1, 256], strides = [1, 1]} : vector<1x384xf32> to vector<1x256xf32>
      %slice3A_62 = vector.extract_strided_slice %dot_general3A_58 {offsets = [0, 0], sizes = [1, 256], strides = [1, 1]} : vector<1x384xf32> to vector<1x256xf32>
      %add3A_63 = arith.addf %slice3A, %slice3A_62 : vector<1x256xf32>
      %mul3A_64 = arith.constant 5.000000e-01 : f32
      %mul3A_65 = vector.broadcast %mul3A_64 : f32 to vector<1x256xf32>
      %mul3A_66 = arith.mulf %add3A_63, %mul3A_65 : vector<1x256xf32>
      %tanh3A = math.tanh %mul3A_66 : vector<1x256xf32>
      %slice3A_67 = vector.extract_strided_slice %tanh3A {offsets = [0, 0], sizes = [1, 128], strides = [1, 1]} : vector<1x256xf32> to vector<1x128xf32>
      %mul3A_68 = arith.constant 5.000000e-01 : f32
      %mul3A_69 = vector.broadcast %mul3A_68 : f32 to vector<1x128xf32>
      %mul3A_70 = arith.mulf %mul3A_69, %slice3A_67 : vector<1x128xf32>
      %add3A_71 = arith.constant 5.000000e-01 : f32
      %add3A_72 = vector.broadcast %add3A_71 : f32 to vector<1x128xf32>
      %add3A_73 = arith.addf %add3A_72, %mul3A_70 : vector<1x128xf32>
      %slice3A_74 = vector.extract_strided_slice %tanh3A {offsets = [0, 128], sizes = [1, 128], strides = [1, 1]} : vector<1x256xf32> to vector<1x128xf32>
      %slice3A_75 = vector.extract_strided_slice %get3A_61 {offsets = [0, 256], sizes = [1, 128], strides = [1, 1]} : vector<1x384xf32> to vector<1x128xf32>
      %slice3A_76 = vector.extract_strided_slice %dot_general3A_58 {offsets = [0, 256], sizes = [1, 128], strides = [1, 1]} : vector<1x384xf32> to vector<1x128xf32>
      %add3A_77 = arith.addf %slice3A_76, %get3A_36 : vector<1x128xf32>
      %mul3A_78 = arith.mulf %add3A_73, %add3A_77 : vector<1x128xf32>
      %add3A_79 = arith.addf %slice3A_75, %mul3A_78 : vector<1x128xf32>
      %tanh3A_80 = math.tanh %add3A_79 : vector<1x128xf32>
      %add3A_81 = arith.addf %tanh3A_80, %scan3A_52 : vector<1x128xf32>
      %sub3A = arith.subf %scan3A_52, %tanh3A_80 : vector<1x128xf32>
      %mul3A_82 = arith.mulf %slice3A_74, %sub3A : vector<1x128xf32>
      %add3A_83 = arith.addf %add3A_81, %mul3A_82 : vector<1x128xf32>
      %mul3A_84 = arith.constant 5.000000e-01 : f32
      %mul3A_85 = vector.broadcast %mul3A_84 : f32 to vector<1x128xf32>
      %mul3A_86 = arith.mulf %mul3A_85, %add3A_83 : vector<1x128xf32>
      %swap3A_87 = arith.index_cast %add3A_56 : i32 to index
      %swap3A_88 = arith.constant 0 : index
      %swap3A_89 = vector.load %arg11[%swap3A_87, %swap3A_88] : memref<1000x128xf32, #tpu.memory_space<vmem>>, vector<1x128xf32>
      tpu.vector_store %arg11[%swap3A_87, %swap3A_88], %mul3A_86 {strides = array<i32>} : memref<1000x128xf32, #tpu.memory_space<vmem>>, vector<1x128xf32>,
      %add3A_90 = arith.constant 1 : i32
      %add3A_91 = arith.addi %mul3A_54, %add3A_90 : i32
      %dot_general3A_92 = arith.constant dense<0.000000e+00> : vector<1x384xf32>
      %dot_general3A_93 = tpu.matmul %mul3A_86, %get3A_33, %dot_general3A_92 {dimension_numbers = #tpu.dot_dimension_numbers<[1], [0], [0], [1], [0, 0, 1, 1], [], []>, transpose_lhs_hint = false} : vector<1x128xf32>, vector<128x384xf32>, vector<1x384xf32> -> vector<1x384xf32>
      %get3A_94 = arith.index_cast %add3A_91 : i32 to index
      %get3A_95 = arith.constant 0 : index
      %get3A_96 = vector.load %arg13[%get3A_94, %get3A_95] : memref<1000x384xf32, #tpu.memory_space<vmem>>, vector<1x384xf32>
      %slice3A_97 = vector.extract_strided_slice %get3A_96 {offsets = [0, 0], sizes = [1, 256], strides = [1, 1]} : vector<1x384xf32> to vector<1x256xf32>
      %slice3A_98 = vector.extract_strided_slice %dot_general3A_93 {offsets = [0, 0], sizes = [1, 256], strides = [1, 1]} : vector<1x384xf32> to vector<1x256xf32>
      %add3A_99 = arith.addf %slice3A_97, %slice3A_98 : vector<1x256xf32>
      %mul3A_100 = arith.constant 5.000000e-01 : f32
      %mul3A_101 = vector.broadcast %mul3A_100 : f32 to vector<1x256xf32>
      %mul3A_102 = arith.mulf %add3A_99, %mul3A_101 : vector<1x256xf32>
      %tanh3A_103 = math.tanh %mul3A_102 : vector<1x256xf32>
      %slice3A_104 = vector.extract_strided_slice %tanh3A_103 {offsets = [0, 0], sizes = [1, 128], strides = [1, 1]} : vector<1x256xf32> to vector<1x128xf32>
      %mul3A_105 = arith.constant 5.000000e-01 : f32
      %mul3A_106 = vector.broadcast %mul3A_105 : f32 to vector<1x128xf32>
      %mul3A_107 = arith.mulf %mul3A_106, %slice3A_104 : vector<1x128xf32>
      %add3A_108 = arith.constant 5.000000e-01 : f32
      %add3A_109 = vector.broadcast %add3A_108 : f32 to vector<1x128xf32>
      %add3A_110 = arith.addf %add3A_109, %mul3A_107 : vector<1x128xf32>
      %slice3A_111 = vector.extract_strided_slice %tanh3A_103 {offsets = [0, 128], sizes = [1, 128], strides = [1, 1]} : vector<1x256xf32> to vector<1x128xf32>
      %slice3A_112 = vector.extract_strided_slice %get3A_96 {offsets = [0, 256], sizes = [1, 128], strides = [1, 1]} : vector<1x384xf32> to vector<1x128xf32>
      %slice3A_113 = vector.extract_strided_slice %dot_general3A_93 {offsets = [0, 256], sizes = [1, 128], strides = [1, 1]} : vector<1x384xf32> to vector<1x128xf32>
      %add3A_114 = arith.addf %slice3A_113, %get3A_36 : vector<1x128xf32>
      %mul3A_115 = arith.mulf %add3A_110, %add3A_114 : vector<1x128xf32>
      %add3A_116 = arith.addf %slice3A_112, %mul3A_115 : vector<1x128xf32>
      %tanh3A_117 = math.tanh %add3A_116 : vector<1x128xf32>
      %add3A_118 = arith.addf %tanh3A_117, %mul3A_86 : vector<1x128xf32>
      %sub3A_119 = arith.subf %mul3A_86, %tanh3A_117 : vector<1x128xf32>
      %mul3A_120 = arith.mulf %slice3A_111, %sub3A_119 : vector<1x128xf32>
      %add3A_121 = arith.addf %add3A_118, %mul3A_120 : vector<1x128xf32>
      %mul3A_122 = arith.constant 5.000000e-01 : f32
      %mul3A_123 = vector.broadcast %mul3A_122 : f32 to vector<1x128xf32>
      %mul3A_124 = arith.mulf %mul3A_123, %add3A_121 : vector<1x128xf32>
      %swap3A_125 = arith.index_cast %add3A_91 : i32 to index
      %swap3A_126 = arith.constant 0 : index
      %swap3A_127 = vector.load %arg11[%swap3A_125, %swap3A_126] : memref<1000x128xf32, #tpu.memory_space<vmem>>, vector<1x128xf32>
      tpu.vector_store %arg11[%swap3A_125, %swap3A_126], %mul3A_124 {strides = array<i32>} : memref<1000x128xf32, #tpu.memory_space<vmem>>, vector<1x128xf32>,
      %add3A_128 = arith.constant 2 : i32
      %add3A_129 = arith.addi %mul3A_54, %add3A_128 : i32
      %dot_general3A_130 = arith.constant dense<0.000000e+00> : vector<1x384xf32>
      %dot_general3A_131 = tpu.matmul %mul3A_124, %get3A_33, %dot_general3A_130 {dimension_numbers = #tpu.dot_dimension_numbers<[1], [0], [0], [1], [0, 0, 1, 1], [], []>, transpose_lhs_hint = false} : vector<1x128xf32>, vector<128x384xf32>, vector<1x384xf32> -> vector<1x384xf32>
      %get3A_132 = arith.index_cast %add3A_129 : i32 to index
      %get3A_133 = arith.constant 0 : index
      %get3A_134 = vector.load %arg13[%get3A_132, %get3A_133] : memref<1000x384xf32, #tpu.memory_space<vmem>>, vector<1x384xf32>
      %slice3A_135 = vector.extract_strided_slice %get3A_134 {offsets = [0, 0], sizes = [1, 256], strides = [1, 1]} : vector<1x384xf32> to vector<1x256xf32>
      %slice3A_136 = vector.extract_strided_slice %dot_general3A_131 {offsets = [0, 0], sizes = [1, 256], strides = [1, 1]} : vector<1x384xf32> to vector<1x256xf32>
      %add3A_137 = arith.addf %slice3A_135, %slice3A_136 : vector<1x256xf32>
      %mul3A_138 = arith.constant 5.000000e-01 : f32
      %mul3A_139 = vector.broadcast %mul3A_138 : f32 to vector<1x256xf32>
      %mul3A_140 = arith.mulf %add3A_137, %mul3A_139 : vector<1x256xf32>
      %tanh3A_141 = math.tanh %mul3A_140 : vector<1x256xf32>
      %slice3A_142 = vector.extract_strided_slice %tanh3A_141 {offsets = [0, 0], sizes = [1, 128], strides = [1, 1]} : vector<1x256xf32> to vector<1x128xf32>
      %mul3A_143 = arith.constant 5.000000e-01 : f32
      %mul3A_144 = vector.broadcast %mul3A_143 : f32 to vector<1x128xf32>
      %mul3A_145 = arith.mulf %mul3A_144, %slice3A_142 : vector<1x128xf32>
      %add3A_146 = arith.constant 5.000000e-01 : f32
      %add3A_147 = vector.broadcast %add3A_146 : f32 to vector<1x128xf32>
      %add3A_148 = arith.addf %add3A_147, %mul3A_145 : vector<1x128xf32>
      %slice3A_149 = vector.extract_strided_slice %tanh3A_141 {offsets = [0, 128], sizes = [1, 128], strides = [1, 1]} : vector<1x256xf32> to vector<1x128xf32>
      %slice3A_150 = vector.extract_strided_slice %get3A_134 {offsets = [0, 256], sizes = [1, 128], strides = [1, 1]} : vector<1x384xf32> to vector<1x128xf32>
      %slice3A_151 = vector.extract_strided_slice %dot_general3A_131 {offsets = [0, 256], sizes = [1, 128], strides = [1, 1]} : vector<1x384xf32> to vector<1x128xf32>
      %add3A_152 = arith.addf %slice3A_151, %get3A_36 : vector<1x128xf32>
      %mul3A_153 = arith.mulf %add3A_148, %add3A_152 : vector<1x128xf32>
      %add3A_154 = arith.addf %slice3A_150, %mul3A_153 : vector<1x128xf32>
      %tanh3A_155 = math.tanh %add3A_154 : vector<1x128xf32>
      %add3A_156 = arith.addf %tanh3A_155, %mul3A_124 : vector<1x128xf32>
      %sub3A_157 = arith.subf %mul3A_124, %tanh3A_155 : vector<1x128xf32>
      %mul3A_158 = arith.mulf %slice3A_149, %sub3A_157 : vector<1x128xf32>
      %add3A_159 = arith.addf %add3A_156, %mul3A_158 : vector<1x128xf32>
      %mul3A_160 = arith.constant 5.000000e-01 : f32
      %mul3A_161 = vector.broadcast %mul3A_160 : f32 to vector<1x128xf32>
      %mul3A_162 = arith.mulf %mul3A_161, %add3A_159 : vector<1x128xf32>
      %swap3A_163 = arith.index_cast %add3A_129 : i32 to index
      %swap3A_164 = arith.constant 0 : index
      %swap3A_165 = vector.load %arg11[%swap3A_163, %swap3A_164] : memref<1000x128xf32, #tpu.memory_space<vmem>>, vector<1x128xf32>
      tpu.vector_store %arg11[%swap3A_163, %swap3A_164], %mul3A_162 {strides = array<i32>} : memref<1000x128xf32, #tpu.memory_space<vmem>>, vector<1x128xf32>,
      %add3A_166 = arith.constant 3 : i32
      %add3A_167 = arith.addi %mul3A_54, %add3A_166 : i32
      %dot_general3A_168 = arith.constant dense<0.000000e+00> : vector<1x384xf32>
      %dot_general3A_169 = tpu.matmul %mul3A_162, %get3A_33, %dot_general3A_168 {dimension_numbers = #tpu.dot_dimension_numbers<[1], [0], [0], [1], [0, 0, 1, 1], [], []>, transpose_lhs_hint = false} : vector<1x128xf32>, vector<128x384xf32>, vector<1x384xf32> -> vector<1x384xf32>
      %get3A_170 = arith.index_cast %add3A_167 : i32 to index
      %get3A_171 = arith.constant 0 : index
      %get3A_172 = vector.load %arg13[%get3A_170, %get3A_171] : memref<1000x384xf32, #tpu.memory_space<vmem>>, vector<1x384xf32>
      %slice3A_173 = vector.extract_strided_slice %get3A_172 {offsets = [0, 0], sizes = [1, 256], strides = [1, 1]} : vector<1x384xf32> to vector<1x256xf32>
      %slice3A_174 = vector.extract_strided_slice %dot_general3A_169 {offsets = [0, 0], sizes = [1, 256], strides = [1, 1]} : vector<1x384xf32> to vector<1x256xf32>
      %add3A_175 = arith.addf %slice3A_173, %slice3A_174 : vector<1x256xf32>
      %mul3A_176 = arith.constant 5.000000e-01 : f32
      %mul3A_177 = vector.broadcast %mul3A_176 : f32 to vector<1x256xf32>
      %mul3A_178 = arith.mulf %add3A_175, %mul3A_177 : vector<1x256xf32>
      %tanh3A_179 = math.tanh %mul3A_178 : vector<1x256xf32>
      %slice3A_180 = vector.extract_strided_slice %tanh3A_179 {offsets = [0, 0], sizes = [1, 128], strides = [1, 1]} : vector<1x256xf32> to vector<1x128xf32>
      %mul3A_181 = arith.constant 5.000000e-01 : f32
      %mul3A_182 = vector.broadcast %mul3A_181 : f32 to vector<1x128xf32>
      %mul3A_183 = arith.mulf %mul3A_182, %slice3A_180 : vector<1x128xf32>
      %add3A_184 = arith.constant 5.000000e-01 : f32
      %add3A_185 = vector.broadcast %add3A_184 : f32 to vector<1x128xf32>
      %add3A_186 = arith.addf %add3A_185, %mul3A_183 : vector<1x128xf32>
      %slice3A_187 = vector.extract_strided_slice %tanh3A_179 {offsets = [0, 128], sizes = [1, 128], strides = [1, 1]} : vector<1x256xf32> to vector<1x128xf32>
      %slice3A_188 = vector.extract_strided_slice %get3A_172 {offsets = [0, 256], sizes = [1, 128], strides = [1, 1]} : vector<1x384xf32> to vector<1x128xf32>
      %slice3A_189 = vector.extract_strided_slice %dot_general3A_169 {offsets = [0, 256], sizes = [1, 128], strides = [1, 1]} : vector<1x384xf32> to vector<1x128xf32>
      %add3A_190 = arith.addf %slice3A_189, %get3A_36 : vector<1x128xf32>
      %mul3A_191 = arith.mulf %add3A_186, %add3A_190 : vector<1x128xf32>
      %add3A_192 = arith.addf %slice3A_188, %mul3A_191 : vector<1x128xf32>
      %tanh3A_193 = math.tanh %add3A_192 : vector<1x128xf32>
      %add3A_194 = arith.addf %tanh3A_193, %mul3A_162 : vector<1x128xf32>
      %sub3A_195 = arith.subf %mul3A_162, %tanh3A_193 : vector<1x128xf32>
      %mul3A_196 = arith.mulf %slice3A_187, %sub3A_195 : vector<1x128xf32>
      %add3A_197 = arith.addf %add3A_194, %mul3A_196 : vector<1x128xf32>
      %mul3A_198 = arith.constant 5.000000e-01 : f32
      %mul3A_199 = vector.broadcast %mul3A_198 : f32 to vector<1x128xf32>
      %mul3A_200 = arith.mulf %mul3A_199, %add3A_197 : vector<1x128xf32>
      %swap3A_201 = arith.index_cast %add3A_167 : i32 to index
      %swap3A_202 = arith.constant 0 : index
      %swap3A_203 = vector.load %arg11[%swap3A_201, %swap3A_202] : memref<1000x128xf32, #tpu.memory_space<vmem>>, vector<1x128xf32>
      tpu.vector_store %arg11[%swap3A_201, %swap3A_202], %mul3A_200 {strides = array<i32>} : memref<1000x128xf32, #tpu.memory_space<vmem>>, vector<1x128xf32>,
      scf.yield %mul3A_200 : vector<1x128xf32>
    }
    %scan3A_44 = arith.constant 250 : i32
    %swap3A_45 = arith.constant 0 : index
    %swap3A_46 = arith.constant 0 : index
    %swap3A_47 = vector.load %arg14[%swap3A_45, %swap3A_46] : memref<1x128xf32, #tpu.memory_space<vmem>>, vector<1x128xf32>
    tpu.vector_store %arg14[%swap3A_45, %swap3A_46], %scan3A_43 {strides = array<i32>} : memref<1x128xf32, #tpu.memory_space<vmem>>, vector<1x128xf32>,
    %swap3A_48 = arith.constant 0 : index
    %swap3A_49 = arith.constant 0 : index
    %swap3A_50 = vector.load %arg12[%swap3A_48, %swap3A_49] : memref<1x128xf32, #tpu.memory_space<vmem>>, vector<1x128xf32>
    tpu.vector_store %arg12[%swap3A_48, %swap3A_49], %scan3A_43 {strides = array<i32>} : memref<1x128xf32, #tpu.memory_space<vmem>>, vector<1x128xf32>,
    return
  }
  func.func @transform_0(%arg0: i32) -> (i32, i32) {
    %c0_i32 = arith.constant 0 : i32
    %c0_i32_0 = arith.constant 0 : i32
    return %arg0, %c0_i32 : i32, i32
  }
  func.func @transform_1(%arg0: i32) -> (i32, i32) {
    %c0_i32 = arith.constant 0 : i32
    %c0_i32_0 = arith.constant 0 : i32
    return %arg0, %c0_i32 : i32, i32
  }
  func.func @transform_2(%arg0: i32) -> (i32, i32) {
    %c0_i32 = arith.constant 0 : i32
    %c0_i32_0 = arith.constant 0 : i32
    return %arg0, %c0_i32 : i32, i32
  }
  func.func @transform_3(%arg0: i32) -> (i32, i32) {
    %c0_i32 = arith.constant 0 : i32
    %c0_i32_0 = arith.constant 0 : i32
    return %arg0, %c0_i32 : i32, i32
  }
  func.func @transform_4(%arg0: i32) -> (i32, i32) {
    %c0_i32 = arith.constant 0 : i32
    %c0_i32_0 = arith.constant 0 : i32
    %c0_i32_1 = arith.constant 0 : i32
    return %c0_i32, %c0_i32_0 : i32, i32
  }
  func.func @transform_5(%arg0: i32) -> (i32, i32) {
    %c0_i32 = arith.constant 0 : i32
    %c0_i32_0 = arith.constant 0 : i32
    %c0_i32_1 = arith.constant 0 : i32
    return %c0_i32, %c0_i32_0 : i32, i32
  }
  func.func @transform_6(%arg0: i32) -> (i32, i32) {
    %c0_i32 = arith.constant 0 : i32
    %c0_i32_0 = arith.constant 0 : i32
    %c0_i32_1 = arith.constant 0 : i32
    return %c0_i32, %c0_i32_0 : i32, i32
  }
  func.func @transform_7(%arg0: i32) -> (i32, i32) {
    %c0_i32 = arith.constant 0 : i32
    %c0_i32_0 = arith.constant 0 : i32
    %c0_i32_1 = arith.constant 0 : i32
    return %c0_i32, %c0_i32_0 : i32, i32
  }
  func.func @transform_8(%arg0: i32) -> (i32, i32) {
    %c0_i32 = arith.constant 0 : i32
    %c0_i32_0 = arith.constant 0 : i32
    %c0_i32_1 = arith.constant 0 : i32
    return %c0_i32, %c0_i32_0 : i32, i32
  }
  func.func @transform_9(%arg0: i32) -> (i32, i32) {
    %c0_i32 = arith.constant 0 : i32
    %c0_i32_0 = arith.constant 0 : i32
    %c0_i32_1 = arith.constant 0 : i32
    return %c0_i32, %c0_i32_0 : i32, i32
  }
  func.func @transform_10(%arg0: i32) -> (i32, i32) {
    %c0_i32 = arith.constant 0 : i32
    %c0_i32_0 = arith.constant 0 : i32
    return %arg0, %c0_i32 : i32, i32
  }
  func.func @transform_11(%arg0: i32) -> (i32, i32) {
    %c0_i32 = arith.constant 0 : i32
    %c0_i32_0 = arith.constant 0 : i32
    %c0_i32_1 = arith.constant 0 : i32
    return %c0_i32, %c0_i32_0 : i32, i32
  }
}

</mosaic_0001>

<sc_bundles>
// kernel: kernel.6.cloned.1.call-start
scs
__scs_entry_jumppad:
0x0: {  	(pc) =	sbr.rel $0x88, $3  }
0x1: {  	(tag) =	ssettag $0x0;
	lr =	simm.s32 $0x1  }
0x2: {  	[smem:$0x3F98] =	sst lr;
	_ =	strace $0xD0000000  }
0x3: {  	_ = 	snop  }
0x4: {  	_ = 	snop  }
0x5: {  	_ = 	snop  }
0x6: {  	_ = 	snop  }
0x7: {  	_ = 	snop  }
__scs_overlays_trampoline_lowered:
0x8: {  	[smem:$0x3FA7] =	sst s0  }
0x9: {  	[smem:$0x3FA8] =	sst s1  }
0xa: {  	[smem:$0x3FA9] =	sst s2  }
0xb: {  	[smem:$0x3FAA] =	sst s3  }
0xc: {  	[smem:$0x3FAB] =	sst s4  }
0xd: {  	[smem:$0x3FAC] =	sst s5  }
0xe: {  	[smem:$0x3FAD] =	sst s6  }
0xf: {  	[smem:$0x3FAE] =	sst s7  }
0x10: {  	[smem:$0x3FAF] =	sst s8  }
0x11: {  	[smem:$0x3FB0] =	sst s9;
	s0 =	simm.s32 @!p0 $0x0  }
0x12: {  	s1 =	sld [smem:$0x3F96];
	s0 =	simm.s32 @p0 $0x1  }
0x13: {  	[smem:$0x3FB1] =	sst s0;
	s0 =	simm.s32 @!p1 $0x0  }
0x14: {  	s2 =	sld [smem:$0x3F95];
	s0 =	simm.s32 @p1 $0x1  }
0x15: {  	[smem:$0x3FB2] =	sst s0;
	s0 =	simm.s32 @!p2 $0x0  }
0x16: {  	s3 =	sld [smem:$0x3FDB];
	s0 =	simm.s32 @p2 $0x1  }
0x17: {  	s4 =	simm.s32 $0x1BF5;
	[smem:$0x3FB4] =	sst s0  }
0x18: {  	s0 =	sld [smem:$0x3F97];
	_ =	swait.ge [sflag:s4], $0x0  }
0x19: {  	s7 =	sld [smem:$0x3F98]  }
0x1a: {  	s8 =	sadd.s32 $0xFFFFE003, lr  }
0x1b: {  	s9 =	sadd.s32 $0xFFFFFEF7, lr;
	s5 =	simm.s32 $0xFFFFFFFF;
	p2 =	slt.u32 s8, $0xFFFFF086  }
0x1c: {  	p1 =	slt.u32 s9, $0xF7A;
	s5 =	simm.s32 @!p2 $0x0  }
0x1d: {  	s5 =	simm.s32 @p1 $0x1;
	p0 =	seq.s32 s7, s2  }
0x1e: {  	s7 =	smul.u32 @!p0 $0xF7A, s2;
	p2 =	seq.s32 @!p0 s5, $0x0  }
0x1f: {  	s9 =	smul.u32 $0xF7A, s1;
	s8 =	simm.s32 @!p0 $0x1BF5;
	p2 =	por !p2, p0  }
0x20: {  	[sflag:s8] =	ssyncset.s32 @!p0 $0xFFFFF086;
	s6 =	sadd.s32 @!p0 s3, s7;
	s7 =	simm.s32 @!p0 $0x108  }
0x21: {  	s3 =	sadd.s32 s3, s9;
	s6 =	sadd.s32 @!p0 $0x88, s6;
	s7 =	simm.s32 @p2 $0x1082  }
0x22: {  	[simem:s7], [sflag:s8] =	dma.local @!p0 [hbm:s6], $0xF7A  }
0x23: {  	s9 =	sor.u32 $0xD0000000, s2;
	s6 =	simm.s32 $0x108;
	_ =	swait.ge @!p0 [sflag:s8], $0x0  }
0x24: {  	s3 =	sadd.s32 $0x88, s3;
	s6 =	simm.s32 @!p1 $0x1082;
	[sflag:s4] =	ssyncset.s32 $0xFFFFF086  }
0x25: {  	[simem:s6], [sflag:s4] =	dma.local [hbm:s3], $0xF7A  }
0x26: {  	[smem:$0x3F98] =	sst s1;
	(tag) =	ssettag s2;
	_ =	strace s9  }
0x27: {  	s1 =	sld [smem:$0x3FA8]  }
0x28: {  	s2 =	sld [smem:$0x3FA9]  }
0x29: {  	s4 =	sld [smem:$0x3FAB]  }
0x2a: {  	p0 =	seq.s32 s5, $0x0;
	s5 =	sld [smem:$0x3FAC]  }
0x2b: {  	s6 =	sld [smem:$0x3FAD]  }
0x2c: {  	s7 =	sld [smem:$0x3FAE]  }
0x2d: {  	s3 =	simm.s32 $0x108;
	s8 =	sld [smem:$0x3FAF]  }
0x2e: {  	s3 =	simm.s32 @!p0 $0x1082;
	s9 =	sld [smem:$0x3FB0]  }
0x2f: {  	lr =	sadd.s32 s0, s3;
	s0 =	sld [smem:$0x3FA7]  }
0x30: {  	s3 =	sld [smem:$0x3FAA]  }
0x31: {  	[smem:$0x3FB3] =	sst s10  }
0x32: {  	s10 =	sld [smem:$0x3FB1];
	_ =	sdelay $0x3  }
0x33: {  	p0 =	seq.s32 s10, $0x1;
	s10 =	sld [smem:$0x3FB3];
	_ =	sdelay $0x3  }
0x34: {  	[smem:$0x3FB3] =	sst s10  }
0x35: {  	s10 =	sld [smem:$0x3FB2];
	_ =	sdelay $0x3  }
0x36: {  	p1 =	seq.s32 s10, $0x1;
	s10 =	sld [smem:$0x3FB3];
	_ =	sdelay $0x3  }
0x37: {  	[smem:$0x3FB3] =	sst s10  }
0x38: {  	s10 =	sld [smem:$0x3FB4]  }
0x39: {  	_ = 	snop;
	(pc) =	sbr.ind lr, $3  }
0x3a: {  	_ = 	snop  }
0x3b: {  	_ = 	snop  }
0x3c: {  	p2 =	seq.s32 s10, $0x1;
	s10 =	sld [smem:$0x3FB3]  }
0x3d: {  	_ =	shalt  }
0x3e: {  	_ =	shalt  }
0x3f: {  	_ =	shalt  }
0x40: {  	_ =	shalt  }
0x41: {  	_ =	shalt  }
0x42: {  	_ =	shalt  }
0x43: {  	_ =	shalt  }
0x44: {  	_ =	shalt  }
0x45: {  	_ =	shalt  }
0x46: {  	_ =	shalt  }
0x47: {  	_ =	shalt  }
0x48: {  	_ =	shalt  }
0x49: {  	_ =	shalt  }
0x4a: {  	_ =	shalt  }
0x4b: {  	_ =	shalt  }
0x4c: {  	_ =	shalt  }
0x4d: {  	_ =	shalt  }
0x4e: {  	_ =	shalt  }
0x4f: {  	_ =	shalt  }
0x50: {  	_ =	shalt  }
0x51: {  	_ =	shalt  }
0x52: {  	_ =	shalt  }
0x53: {  	_ =	shalt  }
0x54: {  	_ =	shalt  }
0x55: {  	_ =	shalt  }
0x56: {  	_ =	shalt  }
0x57: {  	_ =	shalt  }
0x58: {  	_ =	shalt  }
0x59: {  	_ =	shalt  }
0x5a: {  	_ =	shalt  }
0x5b: {  	_ =	shalt  }
0x5c: {  	_ =	shalt  }
0x5d: {  	_ =	shalt  }
0x5e: {  	_ =	shalt  }
0x5f: {  	_ =	shalt  }
0x60: {  	_ =	shalt  }
0x61: {  	_ =	shalt  }
0x62: {  	_ =	shalt  }
0x63: {  	_ =	shalt  }
0x64: {  	_ =	shalt  }
0x65: {  	_ =	shalt  }
0x66: {  	_ =	shalt  }
0x67: {  	_ =	shalt  }
0x68: {  	_ =	shalt  }
0x69: {  	_ =	shalt  }
0x6a: {  	_ =	shalt  }
0x6b: {  	_ =	shalt  }
0x6c: {  	_ =	shalt  }
0x6d: {  	_ =	shalt  }
0x6e: {  	_ =	shalt  }
0x6f: {  	_ =	shalt  }
0x70: {  	_ =	shalt  }
0x71: {  	_ =	shalt  }
0x72: {  	_ =	shalt  }
0x73: {  	_ =	shalt  }
0x74: {  	_ =	shalt  }
0x75: {  	_ =	shalt  }
0x76: {  	_ =	shalt  }
0x77: {  	_ =	shalt  }
0x78: {  	_ =	shalt  }
0x79: {  	_ =	shalt  }
0x7a: {  	_ =	shalt  }
0x7b: {  	_ =	shalt  }
0x7c: {  	_ =	shalt  }
0x7d: {  	_ =	shalt  }
0x7e: {  	_ =	shalt  }
0x7f: {  	_ =	shalt  }
0x80: {  	_ =	shalt  }
0x81: {  	_ =	shalt  }
0x82: {  	_ =	shalt  }
0x83: {  	_ =	shalt  }
0x84: {  	_ =	shalt  }
0x85: {  	_ =	shalt  }
0x86: {  	_ =	shalt  }
0x87: {  	_ =	shalt  }
.Lfunc_end0:
.L_simem_size_0:
called_computation_lowered:
.L_overlay_start_0:
0x88: {  	s2 =	sld [smem:$0x3FD9]  }
0x89: {  	s3 =	sld [smem:$0x3FFE];
	_ =	sdelay $0x1  }
0x8a: {  	s1 =	srdreg.scid  }
0x8b: {  	s0 =	sand.u32 $0x1, s1  }
0x8c: {  	s14 =	sshll.u32 s0, $0xA;
	s2 =	sadd.s32 s3, s2  }
0x8d: {  	s2 =	sadd.s32 s2, s14  }
0x8e: {  	[smem:$0x3FBF] =	sst s2  }
0x8f: {  	_ = 	snop  }
0x90: {  	s2 =	sld [smem:$0x3FD0];
	_ =	sdelay $0x2  }
0x91: {  	s15 =	simm.s32 $0xA;
	s4 =	simm.s32 $0x10  }
0x92: {  	[smem:s4], [sflag:s15] =	dma.local [hbm:s2], $0x1  }
0x93: {  	_ =	swait.eq [sflag:s15], $0x1  }
0x94: {  	[sflag:s15] =	ssyncset.done $0x0  }
0x95: {  	s16 =	sld [smem:$0x10];
	[sflag:s15] =	ssyncadd.s32 $0xFFFFFFFF  }
0x96: {  	s17 =	sld [smem:$0x11];
	(tm) =	ssettm $0x1  }
0x97: {  	s18 =	sld [smem:$0x3FFB];
	_ =	sdelay $0x3  }
0x98: {  	_ =	strace s18  }
0x99: {  	s4 =	sld [smem:$0x3FFC];
	_ =	sdelay $0x3  }
0x9a: {  	_ =	strace s4  }
0x9b: {  	s4 =	sld [smem:$0x3FFD];
	_ =	sdelay $0x3  }
0x9c: {  	_ =	strace s4  }
0x9d: {  	_ =	strace $0x8FFFFFFF  }
0x9e: {  	s19 =	sld [smem:$0x3FDB];
	_ =	sdelay $0x1  }
0x9f: {  	s5 =	simm.s32 $_scs_section_size  }
0xa0: {  	s6 =	simm.s32 $_size__tile_overlayer_lowered;
	s7 =	simm.s32 $_tile_overlayer_lowered  }
0xa1: {  	s22 =	simm.s32 $0x1BFF;
	s21 =	sshll.u32 s7, $0x1;
	s4 =	sadd.s32 s5, s19  }
0xa2: {  	s8 =	simm.s32 $0x0;
	s20 =	sshll.u32 s6, $0x1;
	s6 =	sadd.s32 s21, s4  }
0xa3: {  	[timem:s8], [sflag:s22] =	dma.local [hbm:s6], s20  }
0xa4: {  	_ =	swait.ge [sflag:s22], s20  }
0xa5: {  	s5 =	ssub.s32 $0x0, s20;
	[sflag:s22] =	ssyncset.done $0x0  }
0xa6: {  	[sflag:s22] =	ssyncadd.s32 s5;
	_ =	sdelay $0x1  }
0xa7: {  	s23 =	simm.s32 $0x1B8B  }
0xa8: {  	_ =	swait.ge [sflag:s23], $0x1  }
0xa9: {  	[sflag:s23] =	ssyncset.done $0x0  }
0xaa: {  	s25 =	simm.s32 $0x1B8E;
	s24 =	sld [smem:$0x3FFE];
	[sflag:s23] =	ssyncadd.s32 $0xFFFFFFFF  }
0xab: {  	s26 =	simm.s32 $execute0_lowered;
	[smem:$0x3FD2] =	sst s25  }
0xac: {  	s6 =	sshll.u32 s26, $0x1;
	_ =	strace $0x80000046;
	[dreg:$0x1] =	wrdreg $0xFFFFFFFF  }
0xad: {  	s28 =	simm.s32 $_size_execute0_lowered;
	s4 =	sadd.s32 s4, s6;
	[dreg:$0x0] =	wrdreg $0x0  }
0xae: {  	s6 =	sshll.u32 s28, $0x1;
	[dreg:$0x2] =	wrdreg s4  }
0xaf: {  	[dreg:$0x3] =	wrdreg s6  }
0xb0: {  	[dreg:$0x4] =	wrdreg $0xC0  }
0xb1: {  	_ =	task [dreg:s8], $0x5FFFF  }
0xb2: {  	[dreg:$0x1] =	wrdreg $0xFFFFFFFF  }
0xb3: {  	[dreg:$0x0] =	wrdreg $0x60  }
0xb4: {  	[dreg:$0x2] =	wrdreg s24  }
0xb5: {  	[dreg:$0x3] =	wrdreg s17  }
0xb6: {  	[dreg:$0x4] =	wrdreg s16  }
0xb7: {  	[dreg:$0x5] =	wrdreg $0x2B000  }
0xb8: {  	[dreg:$0x6] =	wrdreg $0x9  }
0xb9: {  	_ =	task.clear_ibuf [dreg:s8], $0x7FFFF;
	_ =	strace $0x90000046  }
0xba: {  	s29 =	simm.s32 $0x9;
	_ =	strace $0x80000048  }
0xbb: {  	_ =	swait.ge [sflag:s29], $0x1  }
0xbc: {  	[sflag:s29] =	ssyncadd.s32 $0xFFFFFFFF  }
0xbd: {  	_ =	strace $0x90000048  }
0xbe: {  	_ =	sfence  }
0xbf: {  	s30 =	sld [smem:$0x0];
	_ =	sdelay $0x2  }
0xc0: {  	s31 =	sshll.u32 s1, $0xD;
	s1 =	sshrl.u32 s1, $0x2  }
0xc1: {  	s3 =	sand.u32 $0x4000, s31;
	s1 =	sadd.s32 s1, s30  }
0xc2: {  	s0 =	sor.u32 s3, s0;
	s1 =	sshll.u32 s1, $0x11  }
0xc3: {  	s0 =	sor.u32 s1, s0  }
0xc4: {  	s0 =	sadd.s32 $0x8F2B, s0  }
0xc5: {  	[sflag:s0] =	ssyncadd.remote.s32 $0x1  }
0xc6: {  	_ =	sfence.sel $0xFFFF  }
0xc7: {  	[dreg:$0x0] =	wrdreg $0xFFFFFFFF;
	(pc) =	sbr.abs _section_cstart, $3  }
0xc8: {  	[dreg:$0x1] =	wrdreg $0xFFFFFFFF  }
0xc9: {  	_ =	task.clear_ibuf [dreg:s8], $0x2FFFF;
	_ =	strace $0x9FFFFFFF  }
0xca: {  	(tm) =	ssettm $0x7FFFFFFF  }
0xcb: {  	_ =	shalt  }
tec
execute0_lowered:
.L_overlay_start_1:
0x0: {  	(tag) =	ssettag $0x1  }
0x1: {  	s5 =	rddreg [dreg:$0x0]  }
0x2: {  	s2 =	srdreg.scid;
	s1 =	rddreg [dreg:$0x1]  }
0x3: {  	s0 =	stileid.u32;
	s8 =	rddreg [dreg:$0x2]  }
0x4: {  	s3 =	rddreg [dreg:$0x3];
	s4 =	simm.s32 $0x0;
	s12 =	simm.s32 $0x2800  }
0x5: {  	s13 =	simm.s32 $0x80;
	s14 =	simm.s32 $0x0;
	s6 =	sand.u32 $0x1, s2  }
0x6: {  	s31 =	sshll.u32 s0, $0x1;
	s9 =	smul.u32 $0x280, s0;
	[smem:$0x7FF] =	sst s4  }
0x7: {  	s2 =	sor.u32 s6, s31;
	s10 =	smul.u32 $0x2800, s6;
	s6 =	ssub.s32 $0x2, s6  }
0x8: {  	s7 =	smul.u32 $0x500, s2;
	s2 =	rddreg [dreg:$0x4];
	s11 =	sshrl.u32 s6, $0x1  }
0x9: {  	_ =	strace $0x80000047;
	s10 =	sadd.s32 s9, s10;
	s11 =	ssub.s32 s6, s11  }
0xa: {  	s6 =	sadd.s32 s9, s3;
	s7 =	sadd.s32 s7, s5;
	s5 =	sadd.s32 $0xCA00, s5  }
0xb: {  	s10 =	sshrl.u32 s10, $0x3;
	s9 =	smax.u32 s11, $0x1;
	s11 =	simm.s32 $0x1  }
0xc: {  	s7 =	sadd.s32 $0x2A00, s7;
	s8 =	sadd.s32 s8, s10;
	s10 =	simm.s32 $0x2880  }
.LBB2_1:
0xd: {  	[tilespmem:s10], [sflag:$0x1] =	stream.linear.gather [hbm4b:s5+s4], $0x280, $0x38;
	[tilespmem:$0x2D80] =	vst v63  }
0xe: {  	_ =	swait.ge [sflag:s11], $0x280  }
0xf: {  	[sflag:s11] =	ssyncset.done $0x0  }
0x10: {  	[sflag:s11] =	ssyncadd.s32 $0xFFFFFD80  }
0x11: {  	[spmem:s6] =	stream.linear.scatter [tilespmem:s10], [sflag:$0x1], $0x280, $0x38;
	[tilespmem:$0x2D80] =	vst v63  }
0x12: {  	_ =	swait.ge [sflag:s11], $0x280  }
0x13: {  	[sflag:s11] =	ssyncset.done $0x0  }
0x14: {  	[sflag:s11] =	ssyncadd.s32 $0xFFFFFD80  }
0x15: {  	[tilespmem:s12], [sflag:$0x1] =	stream.linear.gather [hbm4b:s1+s4], $0x80, $0x38;
	[tilespmem:$0x2D80] =	vst v63  }
0x16: {  	_ =	swait.ge [sflag:s11], $0x80  }
0x17: {  	[sflag:s11] =	ssyncset.done $0x0  }
0x18: {  	[sflag:s11] =	ssyncadd.s32 $0xFFFFFF80  }
0x19: {  	[tilespmem:s4], [sflag:$0x1] =	stream.linear.gather [hbm4b:s7+s4], $0x2780, $0x38;
	[tilespmem:$0x2D80] =	vst v63  }
0x1a: {  	_ =	swait.ge [sflag:s11], $0x2780  }
0x1b: {  	[sflag:s11] =	ssyncset.done $0x0  }
0x1c: {  	[sflag:s11] =	ssyncadd.s32 $0xFFFFD880  }
0x1d: {  	s15 =	simm.s32 $0x0;
	[bflag:$0x0] =	sbarrier.arrive $0xFFFF  }
0x1e: {  	[spmem:s3] =	stream.indirect.scatter.add.f32 [tilespmem:s12], [sflag:$0x1], $0x1, s15, s13, $0xb8;
	[tilespmem:$0x2D80] =	vst v63  }
0x1f: {  	_ =	swait.ge [sflag:s11], $0x80  }
0x20: {  	s15 =	simm.s32 $0x200;
	[sflag:s11] =	ssyncset.done $0x0  }
.LBB2_2:
0x21: {  	s16 =	sshra.s32 s15, $0x2;
	[sflag:s11] =	ssyncadd.s32 $0xFFFFFF80;
	p0 =	sne.s32 s15, $0x9C00  }
0x22: {  	[spmem:s3] =	stream.indirect.scatter.add.f32 [tilespmem:s12], [sflag:$0x1], $0x1, s16, s13, $0xb8;
	[tilespmem:$0x2D80] =	vst v63  }
.Ltmp0:
0x23: {  	_ = 	snop;
	(pc) =	sbr.rel @p0 .LBB2_2-.Ltmp0, $4  }
0x24: {  	_ = 	snop  }
0x25: {  	s15 =	sadd.s32 $0x200, s15  }
0x26: {  	_ =	swait.ge [sflag:s11], $0x80  }
0x27: {  	[sflag:s11] =	ssyncset.done $0x0  }
0x28: {  	[sflag:s11] =	ssyncadd.s32 $0xFFFFFF80  }
0x29: {  	[bflag:$0x0] =	sbarrier.arrive $0xFFFF  }
0x2a: {  	[tilespmem:s10], [sflag:$0x1] =	stream.linear.gather [spmem:s6], $0x280, $0x38;
	[tilespmem:$0x2D80] =	vst v63  }
0x2b: {  	s14 =	sadd.s32 $0x1, s14;
	_ =	swait.ge [sflag:s11], $0x280  }
0x2c: {  	p0 =	sne.s32 s14, s9;
	[sflag:s11] =	ssyncset.done $0x0  }
.Ltmp1:
0x2d: {  	[sflag:s11] =	ssyncadd.s32 $0xFFFFFD80;
	(pc) =	sbr.rel @p0 .LBB2_1-.Ltmp1, $4  }
0x2e: {  	[hbm4b:s8+s4] =	stream.linear.scatter [tilespmem:s10], [sflag:$0x1], $0x280, $0x38;
	[tilespmem:$0x2D80] =	vst v63  }
0x2f: {  	_ =	swait.ge [sflag:s11], $0x280  }
0x30: {  	[sflag:s11] =	ssyncset.done $0x0  }
0x31: {  	[sflag:s11] =	ssyncadd.s32 $0xFFFFFD80  }
0x32: {  	_ =	sfence.sel $0x180000  }
0x33: {  	[bflag:$0x0] =	sbarrier.arrive $0xFFFF  }
0x34: {  	p0 =	sne.s32 s0, $0x0;
	_ =	strace $0x90000047  }
0x35: {  	s0 =	sadd.s32 @!p0 $0x100000, s2;
	[bflag:$0x2] =	sbarrier.arrive $0xFFFF  }
0x36: {  	[sflag:s0] =	ssyncadd.tile.s32 @!p0 $0x1;
	_ =	shalt  }
.Lfunc_end2:
_tile_overlayer_lowered:
.L_overlay_start_2:
0x37: {  	(tag) =	ssettag $0x2  }
0x38: {  	s0 =	rddreg [dreg:$0x0];
	s2 =	stileid.u32  }
0x39: {  	s1 =	rddreg [dreg:$0x1];
	p0 =	sne.s32 s2, $0x0  }
0x3a: {  	s3 =	rddreg [dreg:$0x2];
	[bflag:$0x3] =	sbarrier.arrive $0xFFFF;
	s2 =	simm.s32 @!p0 $0x1C01  }
0x3b: {  	[timem:s3], [sflag:s2] =	dma.local @!p0 [hbm:s0], s1  }
0x3c: {  	s0 =	simm.s32 @!p0 $0x1  }
0x3d: {  	_ =	swait.ge @!p0 [sflag:s0], s1  }
0x3e: {  	s1 =	ssub.s32 @!p0 $0x0, s1;
	[sflag:s0] =	ssyncset.done @!p0 $0x0  }
0x3f: {  	[sflag:s0] =	ssyncadd.s32 @!p0 s1  }
0x40: {  	[bflag:$0x3] =	sbarrier.arrive $0xFFFF  }
0x41: {  	_ =	shalt  }

// kernel: kernel.9.cloned.1.call-start
scs
__scs_entry_jumppad:
0x0: {  	(pc) =	sbr.rel $0x88, $3  }
0x1: {  	(tag) =	ssettag $0x0;
	lr =	simm.s32 $0x1  }
0x2: {  	[smem:$0x3F98] =	sst lr;
	_ =	strace $0xD0000000  }
0x3: {  	_ = 	snop  }
0x4: {  	_ = 	snop  }
0x5: {  	_ = 	snop  }
0x6: {  	_ = 	snop  }
0x7: {  	_ = 	snop  }
__scs_overlays_trampoline_lowered:
0x8: {  	[smem:$0x3FA7] =	sst s0  }
0x9: {  	[smem:$0x3FA8] =	sst s1  }
0xa: {  	[smem:$0x3FA9] =	sst s2  }
0xb: {  	[smem:$0x3FAA] =	sst s3  }
0xc: {  	[smem:$0x3FAB] =	sst s4  }
0xd: {  	[smem:$0x3FAC] =	sst s5  }
0xe: {  	[smem:$0x3FAD] =	sst s6  }
0xf: {  	[smem:$0x3FAE] =	sst s7  }
0x10: {  	[smem:$0x3FAF] =	sst s8  }
0x11: {  	[smem:$0x3FB0] =	sst s9;
	s0 =	simm.s32 @!p0 $0x0  }
0x12: {  	s1 =	sld [smem:$0x3F96];
	s0 =	simm.s32 @p0 $0x1  }
0x13: {  	[smem:$0x3FB1] =	sst s0;
	s0 =	simm.s32 @!p1 $0x0  }
0x14: {  	s2 =	sld [smem:$0x3F95];
	s0 =	simm.s32 @p1 $0x1  }
0x15: {  	[smem:$0x3FB2] =	sst s0;
	s0 =	simm.s32 @!p2 $0x0  }
0x16: {  	s3 =	sld [smem:$0x3FDB];
	s0 =	simm.s32 @p2 $0x1  }
0x17: {  	s4 =	simm.s32 $0x1BF5;
	[smem:$0x3FB4] =	sst s0  }
0x18: {  	s0 =	sld [smem:$0x3F97];
	_ =	swait.ge [sflag:s4], $0x0  }
0x19: {  	s7 =	sld [smem:$0x3F98]  }
0x1a: {  	s8 =	sadd.s32 $0xFFFFE003, lr  }
0x1b: {  	s9 =	sadd.s32 $0xFFFFFEF7, lr;
	s5 =	simm.s32 $0xFFFFFFFF;
	p2 =	slt.u32 s8, $0xFFFFF086  }
0x1c: {  	p1 =	slt.u32 s9, $0xF7A;
	s5 =	simm.s32 @!p2 $0x0  }
0x1d: {  	s5 =	simm.s32 @p1 $0x1;
	p0 =	seq.s32 s7, s2  }
0x1e: {  	s7 =	smul.u32 @!p0 $0xF7A, s2;
	p2 =	seq.s32 @!p0 s5, $0x0  }
0x1f: {  	s9 =	smul.u32 $0xF7A, s1;
	s8 =	simm.s32 @!p0 $0x1BF5;
	p2 =	por !p2, p0  }
0x20: {  	[sflag:s8] =	ssyncset.s32 @!p0 $0xFFFFF086;
	s6 =	sadd.s32 @!p0 s3, s7;
	s7 =	simm.s32 @!p0 $0x108  }
0x21: {  	s3 =	sadd.s32 s3, s9;
	s6 =	sadd.s32 @!p0 $0x88, s6;
	s7 =	simm.s32 @p2 $0x1082  }
0x22: {  	[simem:s7], [sflag:s8] =	dma.local @!p0 [hbm:s6], $0xF7A  }
0x23: {  	s9 =	sor.u32 $0xD0000000, s2;
	s6 =	simm.s32 $0x108;
	_ =	swait.ge @!p0 [sflag:s8], $0x0  }
0x24: {  	s3 =	sadd.s32 $0x88, s3;
	s6 =	simm.s32 @!p1 $0x1082;
	[sflag:s4] =	ssyncset.s32 $0xFFFFF086  }
0x25: {  	[simem:s6], [sflag:s4] =	dma.local [hbm:s3], $0xF7A  }
0x26: {  	[smem:$0x3F98] =	sst s1;
	(tag) =	ssettag s2;
	_ =	strace s9  }
0x27: {  	s1 =	sld [smem:$0x3FA8]  }
0x28: {  	s2 =	sld [smem:$0x3FA9]  }
0x29: {  	s4 =	sld [smem:$0x3FAB]  }
0x2a: {  	p0 =	seq.s32 s5, $0x0;
	s5 =	sld [smem:$0x3FAC]  }
0x2b: {  	s6 =	sld [smem:$0x3FAD]  }
0x2c: {  	s7 =	sld [smem:$0x3FAE]  }
0x2d: {  	s3 =	simm.s32 $0x108;
	s8 =	sld [smem:$0x3FAF]  }
0x2e: {  	s3 =	simm.s32 @!p0 $0x1082;
	s9 =	sld [smem:$0x3FB0]  }
0x2f: {  	lr =	sadd.s32 s0, s3;
	s0 =	sld [smem:$0x3FA7]  }
0x30: {  	s3 =	sld [smem:$0x3FAA]  }
0x31: {  	[smem:$0x3FB3] =	sst s10  }
0x32: {  	s10 =	sld [smem:$0x3FB1];
	_ =	sdelay $0x3  }
0x33: {  	p0 =	seq.s32 s10, $0x1;
	s10 =	sld [smem:$0x3FB3];
	_ =	sdelay $0x3  }
0x34: {  	[smem:$0x3FB3] =	sst s10  }
0x35: {  	s10 =	sld [smem:$0x3FB2];
	_ =	sdelay $0x3  }
0x36: {  	p1 =	seq.s32 s10, $0x1;
	s10 =	sld [smem:$0x3FB3];
	_ =	sdelay $0x3  }
0x37: {  	[smem:$0x3FB3] =	sst s10  }
0x38: {  	s10 =	sld [smem:$0x3FB4]  }
0x39: {  	_ = 	snop;
	(pc) =	sbr.ind lr, $3  }
0x3a: {  	_ = 	snop  }
0x3b: {  	_ = 	snop  }
0x3c: {  	p2 =	seq.s32 s10, $0x1;
	s10 =	sld [smem:$0x3FB3]  }
0x3d: {  	_ =	shalt  }
0x3e: {  	_ =	shalt  }
0x3f: {  	_ =	shalt  }
0x40: {  	_ =	shalt  }
0x41: {  	_ =	shalt  }
0x42: {  	_ =	shalt  }
0x43: {  	_ =	shalt  }
0x44: {  	_ =	shalt  }
0x45: {  	_ =	shalt  }
0x46: {  	_ =	shalt  }
0x47: {  	_ =	shalt  }
0x48: {  	_ =	shalt  }
0x49: {  	_ =	shalt  }
0x4a: {  	_ =	shalt  }
0x4b: {  	_ =	shalt  }
0x4c: {  	_ =	shalt  }
0x4d: {  	_ =	shalt  }
0x4e: {  	_ =	shalt  }
0x4f: {  	_ =	shalt  }
0x50: {  	_ =	shalt  }
0x51: {  	_ =	shalt  }
0x52: {  	_ =	shalt  }
0x53: {  	_ =	shalt  }
0x54: {  	_ =	shalt  }
0x55: {  	_ =	shalt  }
0x56: {  	_ =	shalt  }
0x57: {  	_ =	shalt  }
0x58: {  	_ =	shalt  }
0x59: {  	_ =	shalt  }
0x5a: {  	_ =	shalt  }
0x5b: {  	_ =	shalt  }
0x5c: {  	_ =	shalt  }
0x5d: {  	_ =	shalt  }
0x5e: {  	_ =	shalt  }
0x5f: {  	_ =	shalt  }
0x60: {  	_ =	shalt  }
0x61: {  	_ =	shalt  }
0x62: {  	_ =	shalt  }
0x63: {  	_ =	shalt  }
0x64: {  	_ =	shalt  }
0x65: {  	_ =	shalt  }
0x66: {  	_ =	shalt  }
0x67: {  	_ =	shalt  }
0x68: {  	_ =	shalt  }
0x69: {  	_ =	shalt  }
0x6a: {  	_ =	shalt  }
0x6b: {  	_ =	shalt  }
0x6c: {  	_ =	shalt  }
0x6d: {  	_ =	shalt  }
0x6e: {  	_ =	shalt  }
0x6f: {  	_ =	shalt  }
0x70: {  	_ =	shalt  }
0x71: {  	_ =	shalt  }
0x72: {  	_ =	shalt  }
0x73: {  	_ =	shalt  }
0x74: {  	_ =	shalt  }
0x75: {  	_ =	shalt  }
0x76: {  	_ =	shalt  }
0x77: {  	_ =	shalt  }
0x78: {  	_ =	shalt  }
0x79: {  	_ =	shalt  }
0x7a: {  	_ =	shalt  }
0x7b: {  	_ =	shalt  }
0x7c: {  	_ =	shalt  }
0x7d: {  	_ =	shalt  }
0x7e: {  	_ =	shalt  }
0x7f: {  	_ =	shalt  }
0x80: {  	_ =	shalt  }
0x81: {  	_ =	shalt  }
0x82: {  	_ =	shalt  }
0x83: {  	_ =	shalt  }
0x84: {  	_ =	shalt  }
0x85: {  	_ =	shalt  }
0x86: {  	_ =	shalt  }
0x87: {  	_ =	shalt  }
.Lfunc_end0:
.L_simem_size_0:
called_computation.1_lowered:
.L_overlay_start_0:
0x88: {  	s2 =	sld [smem:$0x3FD9]  }
0x89: {  	s3 =	sld [smem:$0x3FFE];
	_ =	sdelay $0x1  }
0x8a: {  	s1 =	srdreg.scid  }
0x8b: {  	s0 =	sand.u32 $0x1, s1  }
0x8c: {  	s14 =	sshll.u32 s0, $0xA;
	s2 =	sadd.s32 s3, s2  }
0x8d: {  	s2 =	sadd.s32 s2, s14  }
0x8e: {  	[smem:$0x3FBF] =	sst s2  }
0x8f: {  	_ = 	snop  }
0x90: {  	s2 =	sld [smem:$0x3FD0];
	_ =	sdelay $0x2  }
0x91: {  	s15 =	simm.s32 $0xA;
	s4 =	simm.s32 $0x10  }
0x92: {  	[smem:s4], [sflag:s15] =	dma.local [hbm:s2], $0x1  }
0x93: {  	_ =	swait.eq [sflag:s15], $0x1  }
0x94: {  	[sflag:s15] =	ssyncset.done $0x0  }
0x95: {  	[sflag:s15] =	ssyncadd.s32 $0xFFFFFFFF  }
0x96: {  	s16 =	sld [smem:$0x10];
	(tm) =	ssettm $0x1  }
0x97: {  	s17 =	sld [smem:$0x3FFB];
	_ =	sdelay $0x3  }
0x98: {  	_ =	strace s17  }
0x99: {  	s3 =	sld [smem:$0x3FFC];
	_ =	sdelay $0x3  }
0x9a: {  	_ =	strace s3  }
0x9b: {  	s3 =	sld [smem:$0x3FFD];
	_ =	sdelay $0x3  }
0x9c: {  	_ =	strace s3  }
0x9d: {  	_ =	strace $0x8FFFFFFF  }
0x9e: {  	s18 =	sld [smem:$0x3FDB];
	_ =	sdelay $0x1  }
0x9f: {  	s19 =	simm.s32 $_scs_section_size  }
0xa0: {  	s5 =	simm.s32 $_size__tile_overlayer_lowered;
	s6 =	simm.s32 $_tile_overlayer_lowered  }
0xa1: {  	s22 =	simm.s32 $0x1BFF;
	s21 =	sshll.u32 s6, $0x1;
	s3 =	sadd.s32 s19, s18  }
0xa2: {  	s7 =	simm.s32 $0x0;
	s20 =	sshll.u32 s5, $0x1;
	s5 =	sadd.s32 s21, s3  }
0xa3: {  	[timem:s7], [sflag:s22] =	dma.local [hbm:s5], s20  }
0xa4: {  	_ =	swait.ge [sflag:s22], s20  }
0xa5: {  	s4 =	ssub.s32 $0x0, s20;
	[sflag:s22] =	ssyncset.done $0x0  }
0xa6: {  	[sflag:s22] =	ssyncadd.s32 s4;
	_ =	sdelay $0x1  }
0xa7: {  	s23 =	simm.s32 $0x1B8B  }
0xa8: {  	_ =	swait.ge [sflag:s23], $0x1  }
0xa9: {  	[sflag:s23] =	ssyncset.done $0x0  }
0xaa: {  	s25 =	simm.s32 $0x1B8E;
	s24 =	sld [smem:$0x3FFE];
	[sflag:s23] =	ssyncadd.s32 $0xFFFFFFFF  }
0xab: {  	s26 =	simm.s32 $execute0_lowered;
	[smem:$0x3FD2] =	sst s25  }
0xac: {  	s5 =	sshll.u32 s26, $0x1;
	_ =	strace $0x80000049;
	[dreg:$0x1] =	wrdreg $0xFFFFFFFF  }
0xad: {  	s28 =	simm.s32 $_size_execute0_lowered;
	s3 =	sadd.s32 s3, s5;
	[dreg:$0x0] =	wrdreg $0x0  }
0xae: {  	s5 =	sshll.u32 s28, $0x1;
	[dreg:$0x2] =	wrdreg s3  }
0xaf: {  	[dreg:$0x3] =	wrdreg s5  }
0xb0: {  	[dreg:$0x4] =	wrdreg $0xC0  }
0xb1: {  	_ =	task [dreg:s7], $0x5FFFF  }
0xb2: {  	[dreg:$0x1] =	wrdreg $0xFFFFFFFF  }
0xb3: {  	[dreg:$0x0] =	wrdreg $0x60  }
0xb4: {  	[dreg:$0x2] =	wrdreg s24  }
0xb5: {  	[dreg:$0x3] =	wrdreg s16  }
0xb6: {  	[dreg:$0x4] =	wrdreg $0x90000  }
0xb7: {  	[dreg:$0x5] =	wrdreg $0x9  }
0xb8: {  	_ =	task.clear_ibuf [dreg:s7], $0x6FFFF;
	_ =	strace $0x90000049  }
0xb9: {  	s29 =	simm.s32 $0x9;
	_ =	strace $0x8000004B  }
0xba: {  	_ =	swait.ge [sflag:s29], $0x1  }
0xbb: {  	[sflag:s29] =	ssyncadd.s32 $0xFFFFFFFF  }
0xbc: {  	_ =	strace $0x9000004B  }
0xbd: {  	_ =	sfence  }
0xbe: {  	s30 =	sld [smem:$0x0];
	_ =	sdelay $0x2  }
0xbf: {  	s31 =	sshll.u32 s1, $0xD;
	s1 =	sshrl.u32 s1, $0x2  }
0xc0: {  	s3 =	sand.u32 $0x4000, s31;
	s1 =	sadd.s32 s1, s30  }
0xc1: {  	s0 =	sor.u32 s3, s0;
	s1 =	sshll.u32 s1, $0x11  }
0xc2: {  	s0 =	sor.u32 s1, s0  }
0xc3: {  	s0 =	sadd.s32 $0x8F2B, s0  }
0xc4: {  	[sflag:s0] =	ssyncadd.remote.s32 $0x1  }
0xc5: {  	_ =	sfence.sel $0xFFFF  }
0xc6: {  	[dreg:$0x0] =	wrdreg $0xFFFFFFFF;
	(pc) =	sbr.abs _section_cstart, $3  }
0xc7: {  	[dreg:$0x1] =	wrdreg $0xFFFFFFFF  }
0xc8: {  	_ =	task.clear_ibuf [dreg:s7], $0x2FFFF;
	_ =	strace $0x9FFFFFFF  }
0xc9: {  	(tm) =	ssettm $0x7FFFFFFF  }
tec
execute0_lowered:
.L_overlay_start_1:
0x0: {  	(tag) =	ssettag $0x1  }
0x1: {  	s6 =	rddreg [dreg:$0x0];
	s1 =	srdreg.scid  }
0x2: {  	s0 =	stileid.u32;
	s2 =	rddreg [dreg:$0x1]  }
0x3: {  	s3 =	rddreg [dreg:$0x2];
	s4 =	simm.s32 $0x0;
	s22 =	simm.s32 $0x80  }
0x4: {  	s23 =	simm.s32 $0x0;
	s8 =	sand.u32 $0x1, s1;
	s1 =	rddreg [dreg:$0x3]  }
0x5: {  	s30 =	sshll.u32 s0, $0x1;
	[smem:$0x7FF] =	sst s4;
	s7 =	smul.u32 $0x4F000, s0  }
0x6: {  	s11 =	smul.u32 $0x13C00, s0;
	s17 =	sadd.s32 $0x17400, s6;
	s5 =	sor.u32 s8, s30  }
0x7: {  	_ =	strace $0x8000004A;
	s31 =	ssub.s32 $0x2, s8;
	s19 =	smul.u32 $0x13C000, s8  }
0x8: {  	s5 =	smul.u32 $0x500, s5;
	s9 =	sshrl.u32 s31, $0x1;
	s7 =	sshrl.u32 s7, $0x2  }
0x9: {  	s13 =	sadd.s32 $0x4000, s11;
	s15 =	sadd.s32 $0x8000, s11;
	s16 =	sadd.s32 $0xC000, s11  }
0xa: {  	s20 =	sadd.s32 $0x10000, s11;
	s18 =	ssub.s32 s31, s9;
	s8 =	sadd.s32 s15, s3  }
0xb: {  	s9 =	sadd.s32 s16, s3;
	s10 =	sadd.s32 s20, s3;
	s14 =	sadd.s32 s11, s19  }
0xc: {  	s15 =	sadd.s32 s19, s15;
	s16 =	sadd.s32 s19, s16;
	s12 =	sadd.s32 s5, s6  }
0xd: {  	s5 =	sadd.s32 $0x16C00, s6;
	s6 =	sadd.s32 s7, s3;
	s7 =	sadd.s32 s13, s3  }
0xe: {  	s13 =	sadd.s32 s19, s13;
	s14 =	sshrl.u32 s14, $0x3;
	s19 =	sadd.s32 s19, s20  }
0xf: {  	s15 =	sshrl.u32 s15, $0x3;
	s16 =	sshrl.u32 s16, $0x3;
	s18 =	smax.u32 s18, $0x1  }
0x10: {  	s20 =	simm.s32 $0x1;
	s11 =	sadd.s32 $0xCC00, s12;
	s21 =	sshrl.u32 s13, $0x3  }
0x11: {  	s12 =	sadd.s32 $0x2A00, s12;
	s13 =	sadd.s32 s17, s14;
	s19 =	sshrl.u32 s19, $0x3  }
0x12: {  	s15 =	sadd.s32 s17, s15;
	s16 =	sadd.s32 s17, s16;
	s14 =	sadd.s32 s17, s21  }
0x13: {  	s17 =	sadd.s32 s17, s19;
	s19 =	simm.s32 $0x5000;
	s21 =	simm.s32 $0x2800  }
.LBB2_1:
0x14: {  	[tilespmem:s19], [sflag:$0x1] =	stream.linear.gather [hbm4b:s5+s4], $0x4000, $0x38;
	[tilespmem:$0x1CC00] =	vst v63  }
0x15: {  	_ =	swait.ge [sflag:s20], $0x4000  }
0x16: {  	[sflag:s20] =	ssyncset.done $0x0  }
0x17: {  	[sflag:s20] =	ssyncadd.s32 $0xFFFFC000  }
0x18: {  	[spmem:s6] =	stream.linear.scatter [tilespmem:s19], [sflag:$0x1], $0x4000, $0x38;
	[tilespmem:$0x1CC00] =	vst v63  }
0x19: {  	_ =	swait.ge [sflag:s20], $0x4000  }
0x1a: {  	[sflag:s20] =	ssyncset.done $0x0  }
0x1b: {  	[sflag:s20] =	ssyncadd.s32 $0xFFFFC000  }
0x1c: {  	[spmem:s7] =	stream.linear.scatter [tilespmem:s19], [sflag:$0x1], $0x4000, $0x38;
	[tilespmem:$0x1CC00] =	vst v63  }
0x1d: {  	_ =	swait.ge [sflag:s20], $0x4000  }
0x1e: {  	[sflag:s20] =	ssyncset.done $0x0  }
0x1f: {  	[sflag:s20] =	ssyncadd.s32 $0xFFFFC000  }
0x20: {  	[spmem:s8] =	stream.linear.scatter [tilespmem:s19], [sflag:$0x1], $0x4000, $0x38;
	[tilespmem:$0x1CC00] =	vst v63  }
0x21: {  	_ =	swait.ge [sflag:s20], $0x4000  }
0x22: {  	[sflag:s20] =	ssyncset.done $0x0  }
0x23: {  	[sflag:s20] =	ssyncadd.s32 $0xFFFFC000  }
0x24: {  	[spmem:s9] =	stream.linear.scatter [tilespmem:s19], [sflag:$0x1], $0x4000, $0x38;
	[tilespmem:$0x1CC00] =	vst v63  }
0x25: {  	_ =	swait.ge [sflag:s20], $0x4000  }
0x26: {  	[sflag:s20] =	ssyncset.done $0x0  }
0x27: {  	[sflag:s20] =	ssyncadd.s32 $0xFFFFC000  }
0x28: {  	[spmem:s10] =	stream.linear.scatter [tilespmem:s19], [sflag:$0x1], $0x3C00, $0x38;
	[tilespmem:$0x1CC00] =	vst v63  }
0x29: {  	_ =	swait.ge [sflag:s20], $0x3C00  }
0x2a: {  	[sflag:s20] =	ssyncset.done $0x0  }
0x2b: {  	[sflag:s20] =	ssyncadd.s32 $0xFFFFC400  }
0x2c: {  	[tilespmem:s4], [sflag:$0x1] =	stream.linear.gather [hbm4b:s11+s4], $0x2780, $0x38;
	[tilespmem:$0x1CC00] =	vst v63  }
0x2d: {  	_ =	swait.ge [sflag:s20], $0x2780  }
0x2e: {  	[sflag:s20] =	ssyncset.done $0x0  }
0x2f: {  	[sflag:s20] =	ssyncadd.s32 $0xFFFFD880  }
0x30: {  	[tilespmem:s21], [sflag:$0x1] =	stream.linear.gather [hbm4b:s12+s4], $0x2780, $0x38;
	[tilespmem:$0x1CC00] =	vst v63  }
0x31: {  	_ =	swait.ge [sflag:s20], $0x2780  }
0x32: {  	[sflag:s20] =	ssyncset.done $0x0  }
0x33: {  	[sflag:s20] =	ssyncadd.s32 $0xFFFFD880  }
0x34: {  	s24 =	simm.s32 $0x0;
	[bflag:$0x0] =	sbarrier.arrive $0xFFFF  }
0x35: {  	[tilespmem:s19], [sflag:$0x1] =	stream.indirect.gather [hbm4b:s2+s22], $0x80, s24, s22, $0xb8;
	[tilespmem:$0x1CC00] =	vst v63  }
0x36: {  	_ =	swait.ge [sflag:s20], $0x4000  }
0x37: {  	[sflag:s20] =	ssyncset.done $0x0  }
0x38: {  	s31 =	simm.s32 $0x2800;
	[sflag:s20] =	ssyncadd.s32 $0xFFFFC000  }
0x39: {  	[spmem:s3] =	stream.indirect.scatter.add.f32 [tilespmem:s19], [sflag:$0x1], $0x80, s31, s22, $0xb8;
	[tilespmem:$0x1CC00] =	vst v63  }
0x3a: {  	_ =	swait.ge [sflag:s20], $0x4000  }
0x3b: {  	s25 =	simm.s32 $0x400;
	s24 =	simm.s32 $0x200;
	[sflag:s20] =	ssyncset.done $0x0  }
.LBB2_2:
0x3c: {  	s26 =	sshra.s32 s24, $0x2  }
0x3d: {  	[sflag:s20] =	ssyncadd.s32 $0xFFFFC000;
	s24 =	smov.u32 s25;
	s28 =	sadd.s32 $0x200, s25  }
0x3e: {  	[tilespmem:s19], [sflag:$0x1] =	stream.indirect.gather [hbm4b:s2+s22], $0x80, s26, s22, $0xb8;
	[tilespmem:$0x1CC00] =	vst v63  }
0x3f: {  	p0 =	sne.s32 s25, $0x9C00;
	_ =	swait.ge [sflag:s20], $0x4000  }
.Ltmp0:
0x40: {  	[sflag:s20] =	ssyncset.done $0x0;
	(pc) =	sbr.rel @p0 .LBB2_2-.Ltmp0, $4  }
0x41: {  	s25 =	sadd.s32 $0x2800, s26;
	[sflag:s20] =	ssyncadd.s32 $0xFFFFC000  }
0x42: {  	[spmem:s3] =	stream.indirect.scatter.add.f32 [tilespmem:s19], [sflag:$0x1], $0x80, s25, s22, $0xb8;
	[tilespmem:$0x1CC00] =	vst v63  }
0x43: {  	_ =	swait.ge [sflag:s20], $0x4000  }
0x44: {  	s25 =	smov.u32 s28;
	[sflag:s20] =	ssyncset.done $0x0  }
0x45: {  	s24 =	sshra.s32 s24, $0x2;
	[sflag:s20] =	ssyncadd.s32 $0xFFFFC000  }
0x46: {  	[tilespmem:s19], [sflag:$0x1] =	stream.indirect.gather [hbm4b:s2+s22], $0x80, s24, s22, $0xb8;
	[tilespmem:$0x1CC00] =	vst v63  }
0x47: {  	_ =	swait.ge [sflag:s20], $0x4000  }
0x48: {  	[sflag:s20] =	ssyncset.done $0x0  }
0x49: {  	s24 =	sadd.s32 $0x2800, s24;
	[sflag:s20] =	ssyncadd.s32 $0xFFFFC000  }
0x4a: {  	[spmem:s3] =	stream.indirect.scatter.add.f32 [tilespmem:s19], [sflag:$0x1], $0x80, s24, s22, $0xb8;
	[tilespmem:$0x1CC00] =	vst v63  }
0x4b: {  	_ =	swait.ge [sflag:s20], $0x4000  }
0x4c: {  	[sflag:s20] =	ssyncset.done $0x0  }
0x4d: {  	[sflag:s20] =	ssyncadd.s32 $0xFFFFC000  }
0x4e: {  	[bflag:$0x0] =	sbarrier.arrive $0xFFFF  }
0x4f: {  	[tilespmem:s19], [sflag:$0x1] =	stream.linear.gather [spmem:s6], $0x4000, $0x38;
	[tilespmem:$0x1CC00] =	vst v63  }
0x50: {  	_ =	swait.ge [sflag:s20], $0x4000  }
0x51: {  	[sflag:s20] =	ssyncset.done $0x0  }
0x52: {  	[sflag:s20] =	ssyncadd.s32 $0xFFFFC000  }
0x53: {  	[hbm4b:s13+s4] =	stream.linear.scatter [tilespmem:s19], [sflag:$0x1], $0x4000, $0x38;
	[tilespmem:$0x1CC00] =	vst v63  }
0x54: {  	_ =	swait.ge [sflag:s20], $0x4000  }
0x55: {  	[sflag:s20] =	ssyncset.done $0x0  }
0x56: {  	[sflag:s20] =	ssyncadd.s32 $0xFFFFC000  }
0x57: {  	[tilespmem:s19], [sflag:$0x1] =	stream.linear.gather [spmem:s7], $0x4000, $0x38;
	[tilespmem:$0x1CC00] =	vst v63  }
0x58: {  	_ =	swait.ge [sflag:s20], $0x4000  }
0x59: {  	[sflag:s20] =	ssyncset.done $0x0  }
0x5a: {  	[sflag:s20] =	ssyncadd.s32 $0xFFFFC000  }
0x5b: {  	[hbm4b:s14+s4] =	stream.linear.scatter [tilespmem:s19], [sflag:$0x1], $0x4000, $0x38;
	[tilespmem:$0x1CC00] =	vst v63  }
0x5c: {  	_ =	swait.ge [sflag:s20], $0x4000  }
0x5d: {  	[sflag:s20] =	ssyncset.done $0x0  }
0x5e: {  	[sflag:s20] =	ssyncadd.s32 $0xFFFFC000  }
0x5f: {  	[tilespmem:s19], [sflag:$0x1] =	stream.linear.gather [spmem:s8], $0x4000, $0x38;
	[tilespmem:$0x1CC00] =	vst v63  }
0x60: {  	_ =	swait.ge [sflag:s20], $0x4000  }
0x61: {  	[sflag:s20] =	ssyncset.done $0x0  }
0x62: {  	[sflag:s20] =	ssyncadd.s32 $0xFFFFC000  }
0x63: {  	[hbm4b:s15+s4] =	stream.linear.scatter [tilespmem:s19], [sflag:$0x1], $0x4000, $0x38;
	[tilespmem:$0x1CC00] =	vst v63  }
0x64: {  	_ =	swait.ge [sflag:s20], $0x4000  }
0x65: {  	[sflag:s20] =	ssyncset.done $0x0  }
0x66: {  	[sflag:s20] =	ssyncadd.s32 $0xFFFFC000  }
0x67: {  	[tilespmem:s19], [sflag:$0x1] =	stream.linear.gather [spmem:s9], $0x4000, $0x38;
	[tilespmem:$0x1CC00] =	vst v63  }
0x68: {  	_ =	swait.ge [sflag:s20], $0x4000  }
0x69: {  	[sflag:s20] =	ssyncset.done $0x0  }
0x6a: {  	[sflag:s20] =	ssyncadd.s32 $0xFFFFC000  }
0x6b: {  	[hbm4b:s16+s4] =	stream.linear.scatter [tilespmem:s19], [sflag:$0x1], $0x4000, $0x38;
	[tilespmem:$0x1CC00] =	vst v63  }
0x6c: {  	_ =	swait.ge [sflag:s20], $0x4000  }
0x6d: {  	[sflag:s20] =	ssyncset.done $0x0  }
0x6e: {  	[sflag:s20] =	ssyncadd.s32 $0xFFFFC000  }
0x6f: {  	[tilespmem:s19], [sflag:$0x1] =	stream.linear.gather [spmem:s10], $0x3C00, $0x38;
	[tilespmem:$0x1CC00] =	vst v63  }
0x70: {  	s23 =	sadd.s32 $0x1, s23;
	_ =	swait.ge [sflag:s20], $0x3C00  }
0x71: {  	p0 =	sne.s32 s23, s18;
	[sflag:s20] =	ssyncset.done $0x0  }
.Ltmp1:
0x72: {  	[sflag:s20] =	ssyncadd.s32 $0xFFFFC400;
	(pc) =	sbr.rel @p0 .LBB2_1-.Ltmp1, $4  }
0x73: {  	[hbm4b:s17+s4] =	stream.linear.scatter [tilespmem:s19], [sflag:$0x1], $0x3C00, $0x38;
	[tilespmem:$0x1CC00] =	vst v63  }
0x74: {  	_ =	swait.ge [sflag:s20], $0x3C00  }
0x75: {  	[sflag:s20] =	ssyncset.done $0x0  }
0x76: {  	[sflag:s20] =	ssyncadd.s32 $0xFFFFC400  }
0x77: {  	_ =	sfence.sel $0x180000  }
0x78: {  	[bflag:$0x0] =	sbarrier.arrive $0xFFFF  }
0x79: {  	p0 =	sne.s32 s0, $0x0;
	_ =	strace $0x9000004A  }
0x7a: {  	s0 =	sadd.s32 @!p0 $0x100000, s1;
	[bflag:$0x2] =	sbarrier.arrive $0xFFFF  }
0x7b: {  	[sflag:s0] =	ssyncadd.tile.s32 @!p0 $0x1;
	_ =	shalt  }
.Lfunc_end2:
_tile_overlayer_lowered:
.L_overlay_start_2:
0x7c: {  	(tag) =	ssettag $0x2  }
0x7d: {  	s0 =	rddreg [dreg:$0x0];
	s2 =	stileid.u32  }
0x7e: {  	s1 =	rddreg [dreg:$0x1];
	p0 =	sne.s32 s2, $0x0  }
0x7f: {  	s3 =	rddreg [dreg:$0x2];
	[bflag:$0x3] =	sbarrier.arrive $0xFFFF;
	s2 =	simm.s32 @!p0 $0x1C01  }
0x80: {  	[timem:s3], [sflag:s2] =	dma.local @!p0 [hbm:s0], s1  }
0x81: {  	s0 =	simm.s32 @!p0 $0x1  }
0x82: {  	_ =	swait.ge @!p0 [sflag:s0], s1  }
0x83: {  	s1 =	ssub.s32 @!p0 $0x0, s1;
	[sflag:s0] =	ssyncset.done @!p0 $0x0  }
0x84: {  	[sflag:s0] =	ssyncadd.s32 @!p0 s1  }
0x85: {  	[bflag:$0x3] =	sbarrier.arrive $0xFFFF  }
0x86: {  	_ =	shalt  }

</sc_bundles>
